<compile_context>
chip_gen: v7x
topology: tpu7x:2x2x1
jax: 0.10.2.dev20260603
libtpu: 0.0.44.dev20260713+nightly
codegen_flags: <defaults>
</compile_context>

<pallas_src>
import functools

import jax
import jax.numpy as jnp
from jax import lax
from jax.experimental import pallas as pl
from jax.experimental.pallas import tpu as pltpu
from jax.experimental.pallas import tpu_sc as plsc

N = 10000
E = 320000
B = 128

NC = 2
NS = 16
NW = NC * NS

EPT = 20480
E_PAD = NS * EPT
C = 512
K = EPT // C

NP = 10240
ROWS_PER_TILE = NP // NS
SINK = N

RBLK = 2000
G = N // RBLK


def _make_edge_agg(d2):
    mesh = plsc.VectorSubcoreMesh(core_axis_name="c", subcore_axis_name="s")

    @functools.partial(
        pl.kernel,
        out_type=jax.ShapeDtypeStruct((NC, NP, d2), jnp.float32),
        mesh=mesh,
        compiler_params=pltpu.CompilerParams(use_tc_tiling_on_sc=False),
        scratch_types=[
            pltpu.VMEM((K, C), jnp.int32),
            pltpu.VMEM((K, C), jnp.int32),
            pltpu.VMEM((C, d2), jnp.float32),
            pltpu.VMEM_SHARED((NP, d2), jnp.float32),
            pltpu.SemaphoreType.DMA,
        ],
    )
    def edge_agg(y2_hbm, srcs_hbm, dsts_hbm, zeros_hbm, out_hbm,
                 src_v, dst_v, rows_v, acc_sh, sem):
        c = lax.axis_index("c")
        s = lax.axis_index("s")
        wid = c * NS + s
        row0 = s * ROWS_PER_TILE

        for k in range(ROWS_PER_TILE // 128):
            pltpu.sync_copy(zeros_hbm, acc_sh.at[pl.ds(row0 + k * 128, 128)])

        pltpu.sync_copy(srcs_hbm.at[wid], src_v)
        pltpu.sync_copy(dsts_hbm.at[s], dst_v)
        plsc.subcore_barrier()

        def body(j, carry):
            pltpu.async_copy(y2_hbm.at[src_v.at[j]], rows_v, sem).wait()
            pltpu.sync_copy(rows_v, acc_sh.at[dst_v.at[j]], add=True)
            return carry

        lax.fori_loop(0, K, body, 0)
        plsc.subcore_barrier()

        pltpu.sync_copy(acc_sh.at[pl.ds(row0, ROWS_PER_TILE)],
                        out_hbm.at[c, pl.ds(row0, ROWS_PER_TILE)])

    return edge_agg


def _matmul2_body(x_r, Wa_r, Wb_r, y2_r):
    y2_r[0] = jnp.dot(x_r[...], Wa_r[...], preferred_element_type=jnp.float32)
    y2_r[1] = jnp.dot(x_r[...], Wb_r[...], preferred_element_type=jnp.float32)


def _matmul2(x, W):
    din = x.shape[1]
    d2 = W.shape[1] // 2
    return pl.pallas_call(
        _matmul2_body,
        grid=(G,),
        in_specs=[
            pl.BlockSpec((RBLK, din), lambda i: (i, 0)),
            pl.BlockSpec((din, d2), lambda i: (0, 0)),
            pl.BlockSpec((din, d2), lambda i: (0, 0)),
        ],
        out_specs=pl.BlockSpec((2, RBLK, d2), lambda i: (0, i, 0)),
        out_shape=jax.ShapeDtypeStruct((2, N, d2), jnp.float32),
    )(x, W[:, :d2], W[:, d2:])


def _make_layer_body(split_next):
    def body(y_r, agg_r, eps_r, b1_r, W2_r, b2_r, gamma_r, beta_r,
             Wi_r, bi_r, Wo_r, bo_r, batch_r, Wna_r, Wnb_r,
             pout_r, ynext_r, h_s, stats_s, pooled_s):
        j = pl.program_id(0)
        i = pl.program_id(1)

        @pl.when(j == 0)
        def _():
            y = jnp.concatenate([y_r[0], y_r[1]], axis=1)
            agg = jnp.concatenate([agg_r[0], agg_r[1]], axis=1)
            h1 = jnp.maximum(
                y * (1.0 + eps_r[0]) + agg + b1_r[...], 0.0)
            h2 = (jnp.dot(h1, W2_r[...], preferred_element_type=jnp.float32)
                  + b2_r[...])
            h_s[pl.ds(i * RBLK, RBLK), :] = h2

            @pl.when(i == 0)
            def _():
                stats_s[...] = jnp.zeros_like(stats_s)

            stats_s[0:1, :] += jnp.sum(h2, axis=0, keepdims=True)
            stats_s[1:2, :] += jnp.sum(h2 * h2, axis=0, keepdims=True)

        @pl.when(j == 1)
        def _():
            inv_n = 1.0 / N
            mean = stats_s[0:1, :] * inv_n
            ex2 = stats_s[1:2, :] * inv_n
            var = ex2 - mean * mean
            inv = lax.rsqrt(var + 1e-5)
            f = jnp.maximum(
                (h_s[pl.ds(i * RBLK, RBLK), :] - mean) * inv * gamma_r[...]
                + beta_r[...], 0.0)
            if split_next:
                ynext_r[0] = jnp.dot(f, Wna_r[...],
                                     preferred_element_type=jnp.float32)
                ynext_r[1] = jnp.dot(f, Wnb_r[...],
                                     preferred_element_type=jnp.float32)
            inner = jnp.maximum(
                jnp.dot(f, Wi_r[...], preferred_element_type=jnp.float32)
                + bi_r[...], 0.0)
            bids = batch_r[0, 0, :]
            onehot = (lax.broadcasted_iota(jnp.int32, (B, RBLK), 0)
                      == bids[None, :]).astype(jnp.float32)

            @pl.when(i == 0)
            def _():
                pooled_s[...] = jnp.zeros_like(pooled_s)

            pooled_s[...] += jnp.dot(onehot, inner,
                                     preferred_element_type=jnp.float32)

            @pl.when(i == G - 1)
            def _():
                pout_r[...] = jnp.maximum(
                    jnp.dot(pooled_s[...], Wo_r[...],
                            preferred_element_type=jnp.float32) + bo_r[...],
                    0.0)

    return body


def _layer_tc(y2, aggs, eps, b1, W2, b2, gamma, beta, Wi, bi, Wo, bo,
              batch3d, Wn):
    d2 = y2.shape[2]
    dout = 2 * d2
    split_next = Wn is not None

    def ph0(j, i):
        return (0, jnp.where(j == 0, i, 0), 0)

    def ph1(j, i):
        return (0, jnp.where(j == 1, i, 0), 0)

    def full(j, i):
        return (0, 0)

    if split_next:
        dn2 = Wn.shape[1] // 2
        Wna, Wnb = Wn[:, :dn2], Wn[:, dn2:]
        ynext_shape = jax.ShapeDtypeStruct((2, N, dn2), jnp.float32)
        ynext_spec = pl.BlockSpec((2, RBLK, dn2), ph1)
    else:
        dn2 = 8
        Wna = Wnb = jnp.zeros((dout, dn2), jnp.float32)
        ynext_shape = jax.ShapeDtypeStruct((2, RBLK, dn2), jnp.float32)
        ynext_spec = pl.BlockSpec((2, RBLK, dn2), lambda j, i: (0, 0, 0))

    pout, ynext = pl.pallas_call(
        _make_layer_body(split_next),
        grid=(2, G),
        in_specs=[
            pl.BlockSpec((2, RBLK, d2), ph0),
            pl.BlockSpec((2, RBLK, d2), ph0),
            pl.BlockSpec(memory_space=pltpu.SMEM),
            pl.BlockSpec((1, dout), full),
            pl.BlockSpec((dout, dout), full),
            pl.BlockSpec((1, dout), full),
            pl.BlockSpec((1, dout), full),
            pl.BlockSpec((1, dout), full),
            pl.BlockSpec((dout, dout), full),
            pl.BlockSpec((1, dout), full),
            pl.BlockSpec((dout, dout), full),
            pl.BlockSpec((1, dout), full),
            pl.BlockSpec((1, 1, RBLK), lambda j, i: (jnp.where(j == 1, i, 0),
                                                     0, 0)),
            pl.BlockSpec((dout, dn2), full),
            pl.BlockSpec((dout, dn2), full),
        ],
        out_specs=[
            pl.BlockSpec((B, dout), full),
            ynext_spec,
        ],
        out_shape=[
            jax.ShapeDtypeStruct((B, dout), jnp.float32),
            ynext_shape,
        ],
        scratch_shapes=[
            pltpu.VMEM((N, dout), jnp.float32),
            pltpu.VMEM((8, dout), jnp.float32),
            pltpu.VMEM((B, dout), jnp.float32),
        ],
    )(y2, aggs, eps, b1, W2, b2, gamma, beta, Wi, bi, Wo, bo, batch3d,
      Wna, Wnb)
    return pout, ynext


def _head_body(p1_r, p2_r, p3_r, w1a_r, w1b_r, w1c_r, b1_r, W2_r, b2_r,
               W3_r, b3_r, W4_r, b4_r, out_r):
    h = (jnp.dot(p1_r[...], w1a_r[...], preferred_element_type=jnp.float32)
         + jnp.dot(p2_r[...], w1b_r[...], preferred_element_type=jnp.float32)
         + jnp.dot(p3_r[...], w1c_r[...], preferred_element_type=jnp.float32)
         + b1_r[...])
    h = jnp.maximum(h, 0.0)
    h = jnp.tanh(
        jnp.dot(h, W2_r[...], preferred_element_type=jnp.float32) + b2_r[...])
    s = jnp.maximum(
        jnp.dot(h, W3_r[...], preferred_element_type=jnp.float32) + b3_r[...],
        0.0)
    s = jnp.dot(s, W4_r[...], preferred_element_type=jnp.float32) + b4_r[...]
    out_r[...] = 1.0 / (1.0 + jnp.exp(-s))


def _head(p1, p2, p3, w1a, w1b, w1c, b1, W2, b2, W3, b3, W4, b4):
    return pl.pallas_call(
        _head_body,
        out_shape=jax.ShapeDtypeStruct((B, 1), jnp.float32),
    )(p1, p2, p3, w1a, w1b, w1c, b1, W2, b2, W3, b3, W4, b4)


@jax.jit
def kernel(x, edge_index, batch, params):
    src = edge_index[0].astype(jnp.int32)
    dst = edge_index[1].astype(jnp.int32)
    pad = E_PAD - E
    src = jnp.concatenate([src, jnp.zeros((pad,), jnp.int32)])
    dst = jnp.concatenate([dst, jnp.full((pad,), SINK, jnp.int32)])
    srcs = jnp.stack([src, src + N]).reshape(NC, NS, K, C).reshape(NW, K, C)
    dsts = dst.reshape(NS, K, C)

    batch3d = batch.astype(jnp.int32).reshape(G, 1, RBLK)

    y2 = _matmul2(x, params['gin'][0]['W1'])
    pouts = []
    for i in range(3):
        p = params['gin'][i]
        d2 = y2.shape[2]
        zeros = jnp.zeros((128, d2), jnp.float32)
        aggs = _make_edge_agg(d2)(y2.reshape(2 * N, d2), srcs, dsts, zeros)
        eps = jnp.reshape(p['eps'], (1,))
        pi = params['inner'][i]
        po = params['outer'][i]
        Wn = params['gin'][i + 1]['W1'] if i < 2 else None
        pout, y2 = _layer_tc(
            y2, aggs, eps, p['b1'].reshape(1, -1), p['W2'],
            p['b2'].reshape(1, -1), p['gamma'].reshape(1, -1),
            p['beta'].reshape(1, -1), pi['W'], pi['b'].reshape(1, -1),
            po['W'], po['b'].reshape(1, -1), batch3d, Wn)
        pouts.append(pout)

    csW1 = params['cs_W1']
    w1a, w1b, w1c = csW1[:128], csW1[128:192], csW1[192:224]
    return _head(pouts[0], pouts[1], pouts[2],
                 w1a, w1b, w1c, params['cs_b1'].reshape(1, -1),
                 params['cs_W2'], params['cs_b2'].reshape(1, -1),
                 params['sc_W1'], params['sc_b1'].reshape(1, -1),
                 params['sc_W2'], params['sc_b2'].reshape(1, -1))

# --- scband reference (transcript-rebuilt; emitter-appended) ---
"""Pipeline reference for scband-cgd-58523224375841 (READ-ONLY COPY).

The authoritative reference and input builder live on the scoring server;
editing this copy changes nothing except your own understanding.
"""

import jax, jax.numpy as jnp
import numpy as np

N = 10000
E = 320000
NF = 128
FILTERS = [128, 64, 32]
B = 128


def _lin(key, din, dout):
    k1, k2 = jax.random.split(key)
    s = 1.0 / np.sqrt(din)
    W = jax.random.uniform(k1, (din, dout), jnp.float32, -s, s)
    b = jax.random.uniform(k2, (dout,), jnp.float32, -s, s)
    return W, b


def setup_inputs(seed: int = 0):
    key = jax.random.key(seed)
    ks = list(jax.random.split(key, 64))
    it = iter(ks)
    x = jax.random.normal(next(it), (N, NF), jnp.float32)
    edge_index = jax.random.randint(next(it), (2, E), 0, N)
    batch = jnp.sort(jax.random.randint(next(it), (N,), 0, B))
    params = {'gin': [], 'inner': [], 'outer': []}
    dims = [NF] + FILTERS
    for i in range(len(FILTERS)):
        W1, b1 = _lin(next(it), dims[i], FILTERS[i])
        W2, b2 = _lin(next(it), FILTERS[i], FILTERS[i])
        params['gin'].append({'eps': jnp.float32(0.0), 'W1': W1, 'b1': b1, 'W2': W2, 'b2': b2,
                              'gamma': jnp.ones((FILTERS[i],), jnp.float32),
                              'beta': jnp.zeros((FILTERS[i],), jnp.float32)})
        Wi, bi = _lin(next(it), FILTERS[i], FILTERS[i])
        params['inner'].append({'W': Wi, 'b': bi})
        Wo, bo = _lin(next(it), FILTERS[i], FILTERS[i])
        params['outer'].append({'W': Wo, 'b': bo})
    C = sum(FILTERS)
    R = C // 2
    params['cs_W1'], params['cs_b1'] = _lin(next(it), C, R)
    params['cs_W2'], params['cs_b2'] = _lin(next(it), R, R)
    params['sc_W1'], params['sc_b1'] = _lin(next(it), R, 16)
    params['sc_W2'], params['sc_b2'] = _lin(next(it), 16, 1)
    return {'x': x, 'edge_index': edge_index, 'batch': batch, 'params': params}


def _forward(x, edge_index, batch, params):
    src = edge_index[0]
    dst = edge_index[1]
    feat = x
    pooled_list = []
    for i in range(len(FILTERS)):
        p = params['gin'][i]
        # GINConv: nn((1+eps)*x + sum_{j->i} x_j)
        agg = jnp.zeros((feat.shape[0], feat.shape[1]), feat.dtype).at[dst].add(feat[src])
        h = (1.0 + p['eps']) * feat + agg
        h = h @ p['W1'] + p['b1']
        h = jax.nn.relu(h)
        h = h @ p['W2'] + p['b2']
        # BatchNorm1d (training-mode batch stats)
        mean = h.mean(axis=0, keepdims=True)
        var = h.var(axis=0, keepdims=True)
        h = (h - mean) / jnp.sqrt(var + 1e-5) * p['gamma'] + p['beta']
        feat = jax.nn.relu(h)  # convolutional_pass_level relu (dropout p=0.0)
        # deepsets inner mlp per node, then global_add_pool per graph, then outer mlp
        pi = params['inner'][i]
        inner = jax.nn.relu(feat @ pi['W'] + pi['b'])
        pool = jax.ops.segment_sum(inner, batch, num_segments=B)
        po = params['outer'][i]
        pooled_list.append(jax.nn.relu(pool @ po['W'] + po['b']))
    fused = jnp.concatenate(pooled_list, axis=-1)  # fuse_type == 'cat'
    h = jax.nn.relu(fused @ params['cs_W1'] + params['cs_b1'])
    h = jnp.tanh(h @ params['cs_W2'] + params['cs_b2'])
    s = jax.nn.relu(h @ params['sc_W1'] + params['sc_b1'])
    s = s @ params['sc_W2'] + params['sc_b2']
    return jax.nn.sigmoid(s)


def reference(x, edge_index, batch, params):
    return _forward(x, edge_index, batch, params)

if __name__ == "__main__":
    import jax
    _d = setup_inputs()
    print(jax.jit(kernel)(*tuple(_d.values())))

</pallas_src>

<mosaic_0001>
#map = affine_map<(d0, d1) -> (0, 0)>
#map1 = affine_map<(d0, d1) -> (0, 0, 0)>
module attributes {stable_mosaic.version = 14 : i64} {
  func.func @edge_agg(%arg0: i32, %arg1: i32, %arg2: memref<20000x64xf32, #tpu.memory_space<hbm>>, %arg3: memref<32x40x512xi32, #tpu.memory_space<hbm>>, %arg4: memref<16x40x512xi32, #tpu.memory_space<hbm>>, %arg5: memref<128x64xf32, #tpu.memory_space<hbm>>, %arg6: memref<2x10240x64xf32, #tpu.memory_space<hbm>>, %arg7: memref<40x512xi32, #tpu.memory_space<vmem>>, %arg8: memref<40x512xi32, #tpu.memory_space<vmem>>, %arg9: memref<512x64xf32, #tpu.memory_space<vmem>>, %arg10: memref<10240x64xf32, #tpu.memory_space<vmem_shared>>, %arg11: memref<!tpu.dma_semaphore, #tpu.memory_space<semaphore_mem>>) attributes {dimension_semantics = [#tpu.dimension_semantics<core_parallel>, #tpu.dimension_semantics<subcore_parallel>], iteration_bounds = array<i64: 2, 16>, scalar_prefetch = 0 : i64, scratch_operands = 5 : i64, tpu.core_type = #tpu.core_type<sc_vector_subcore>, window_params = [{transform_indices = #map}, {transform_indices = #map1}, {transform_indices = #map1}, {transform_indices = #map}, {transform_indices = #map1}]} {
    %mul3A = arith.constant 16 : i32
    %mul3A_0 = arith.muli %arg0, %mul3A : i32
    %add3A = arith.addi %mul3A_0, %arg1 : i32
    %mul3A_1 = arith.constant 640 : i32
    %mul3A_2 = arith.muli %arg1, %mul3A_1 : i32
    %add3A_3 = arith.constant 0 : i32
    %add3A_4 = arith.addi %mul3A_2, %add3A_3 : i32
    "tpu.region"() ({
      %run_scoped3A = tpu.sem_alloc : memref<!tpu.dma_semaphore, #tpu.memory_space<semaphore_mem>>
      %dma_start3A = arith.constant 0 : i32
      %dma_start3A_19 = tpu.memref_slice %arg10[%add3A_4, %dma_start3A] : memref<10240x64xf32, #tpu.memory_space<vmem_shared>> -> memref<128x64xf32, #tpu.memory_space<vmem_shared>>
      tpu.enqueue_dma source(%arg5 : memref<128x64xf32, #tpu.memory_space<hbm>>) target(%dma_start3A_19 : memref<128x64xf32, #tpu.memory_space<vmem_shared>>) target_semaphore(%run_scoped3A : memref<!tpu.dma_semaphore, #tpu.memory_space<semaphore_mem>>)
      %dma_wait3A = arith.constant 0 : i32
      %dma_wait3A_20 = tpu.memref_slice %arg10[%add3A_4, %dma_wait3A] : memref<10240x64xf32, #tpu.memory_space<vmem_shared>> -> memref<128x64xf32, #tpu.memory_space<vmem_shared>>
      tpu.wait_dma2 semaphore(%run_scoped3A : memref<!tpu.dma_semaphore, #tpu.memory_space<semaphore_mem>>) src(%arg5 : memref<128x64xf32, #tpu.memory_space<hbm>>) dst(%dma_wait3A_20 : memref<128x64xf32, #tpu.memory_space<vmem_shared>>)
      tpu.yield
    }) : () -> ()
    %add3A_5 = arith.constant 128 : i32
    %add3A_6 = arith.addi %mul3A_2, %add3A_5 : i32
    "tpu.region"() ({
      %run_scoped3A = tpu.sem_alloc : memref<!tpu.dma_semaphore, #tpu.memory_space<semaphore_mem>>
      %dma_start3A = arith.constant 0 : i32
      %dma_start3A_19 = tpu.memref_slice %arg10[%add3A_6, %dma_start3A] : memref<10240x64xf32, #tpu.memory_space<vmem_shared>> -> memref<128x64xf32, #tpu.memory_space<vmem_shared>>
      tpu.enqueue_dma source(%arg5 : memref<128x64xf32, #tpu.memory_space<hbm>>) target(%dma_start3A_19 : memref<128x64xf32, #tpu.memory_space<vmem_shared>>) target_semaphore(%run_scoped3A : memref<!tpu.dma_semaphore, #tpu.memory_space<semaphore_mem>>)
      %dma_wait3A = arith.constant 0 : i32
      %dma_wait3A_20 = tpu.memref_slice %arg10[%add3A_6, %dma_wait3A] : memref<10240x64xf32, #tpu.memory_space<vmem_shared>> -> memref<128x64xf32, #tpu.memory_space<vmem_shared>>
      tpu.wait_dma2 semaphore(%run_scoped3A : memref<!tpu.dma_semaphore, #tpu.memory_space<semaphore_mem>>) src(%arg5 : memref<128x64xf32, #tpu.memory_space<hbm>>) dst(%dma_wait3A_20 : memref<128x64xf32, #tpu.memory_space<vmem_shared>>)
      tpu.yield
    }) : () -> ()
    %add3A_7 = arith.constant 256 : i32
    %add3A_8 = arith.addi %mul3A_2, %add3A_7 : i32
    "tpu.region"() ({
      %run_scoped3A = tpu.sem_alloc : memref<!tpu.dma_semaphore, #tpu.memory_space<semaphore_mem>>
      %dma_start3A = arith.constant 0 : i32
      %dma_start3A_19 = tpu.memref_slice %arg10[%add3A_8, %dma_start3A] : memref<10240x64xf32, #tpu.memory_space<vmem_shared>> -> memref<128x64xf32, #tpu.memory_space<vmem_shared>>
      tpu.enqueue_dma source(%arg5 : memref<128x64xf32, #tpu.memory_space<hbm>>) target(%dma_start3A_19 : memref<128x64xf32, #tpu.memory_space<vmem_shared>>) target_semaphore(%run_scoped3A : memref<!tpu.dma_semaphore, #tpu.memory_space<semaphore_mem>>)
      %dma_wait3A = arith.constant 0 : i32
      %dma_wait3A_20 = tpu.memref_slice %arg10[%add3A_8, %dma_wait3A] : memref<10240x64xf32, #tpu.memory_space<vmem_shared>> -> memref<128x64xf32, #tpu.memory_space<vmem_shared>>
      tpu.wait_dma2 semaphore(%run_scoped3A : memref<!tpu.dma_semaphore, #tpu.memory_space<semaphore_mem>>) src(%arg5 : memref<128x64xf32, #tpu.memory_space<hbm>>) dst(%dma_wait3A_20 : memref<128x64xf32, #tpu.memory_space<vmem_shared>>)
      tpu.yield
    }) : () -> ()
    %add3A_9 = arith.constant 384 : i32
    %add3A_10 = arith.addi %mul3A_2, %add3A_9 : i32
    "tpu.region"() ({
      %run_scoped3A = tpu.sem_alloc : memref<!tpu.dma_semaphore, #tpu.memory_space<semaphore_mem>>
      %dma_start3A = arith.constant 0 : i32
      %dma_start3A_19 = tpu.memref_slice %arg10[%add3A_10, %dma_start3A] : memref<10240x64xf32, #tpu.memory_space<vmem_shared>> -> memref<128x64xf32, #tpu.memory_space<vmem_shared>>
      tpu.enqueue_dma source(%arg5 : memref<128x64xf32, #tpu.memory_space<hbm>>) target(%dma_start3A_19 : memref<128x64xf32, #tpu.memory_space<vmem_shared>>) target_semaphore(%run_scoped3A : memref<!tpu.dma_semaphore, #tpu.memory_space<semaphore_mem>>)
      %dma_wait3A = arith.constant 0 : i32
      %dma_wait3A_20 = tpu.memref_slice %arg10[%add3A_10, %dma_wait3A] : memref<10240x64xf32, #tpu.memory_space<vmem_shared>> -> memref<128x64xf32, #tpu.memory_space<vmem_shared>>
      tpu.wait_dma2 semaphore(%run_scoped3A : memref<!tpu.dma_semaphore, #tpu.memory_space<semaphore_mem>>) src(%arg5 : memref<128x64xf32, #tpu.memory_space<hbm>>) dst(%dma_wait3A_20 : memref<128x64xf32, #tpu.memory_space<vmem_shared>>)
      tpu.yield
    }) : () -> ()
    %add3A_11 = arith.constant 512 : i32
    %add3A_12 = arith.addi %mul3A_2, %add3A_11 : i32
    "tpu.region"() ({
      %run_scoped3A = tpu.sem_alloc : memref<!tpu.dma_semaphore, #tpu.memory_space<semaphore_mem>>
      %dma_start3A = arith.constant 0 : i32
      %dma_start3A_19 = tpu.memref_slice %arg10[%add3A_12, %dma_start3A] : memref<10240x64xf32, #tpu.memory_space<vmem_shared>> -> memref<128x64xf32, #tpu.memory_space<vmem_shared>>
      tpu.enqueue_dma source(%arg5 : memref<128x64xf32, #tpu.memory_space<hbm>>) target(%dma_start3A_19 : memref<128x64xf32, #tpu.memory_space<vmem_shared>>) target_semaphore(%run_scoped3A : memref<!tpu.dma_semaphore, #tpu.memory_space<semaphore_mem>>)
      %dma_wait3A = arith.constant 0 : i32
      %dma_wait3A_20 = tpu.memref_slice %arg10[%add3A_12, %dma_wait3A] : memref<10240x64xf32, #tpu.memory_space<vmem_shared>> -> memref<128x64xf32, #tpu.memory_space<vmem_shared>>
      tpu.wait_dma2 semaphore(%run_scoped3A : memref<!tpu.dma_semaphore, #tpu.memory_space<semaphore_mem>>) src(%arg5 : memref<128x64xf32, #tpu.memory_space<hbm>>) dst(%dma_wait3A_20 : memref<128x64xf32, #tpu.memory_space<vmem_shared>>)
      tpu.yield
    }) : () -> ()
    "tpu.region"() ({
      %run_scoped3A = tpu.sem_alloc : memref<!tpu.dma_semaphore, #tpu.memory_space<semaphore_mem>>
      %dma_start3A = arith.constant 0 : i32
      %dma_start3A_19 = arith.constant 0 : i32
      %dma_start3A_20 = tpu.memref_slice %arg3[%add3A, %dma_start3A, %dma_start3A_19] : memref<32x40x512xi32, #tpu.memory_space<hbm>> -> memref<1x40x512xi32, #tpu.memory_space<hbm>>
      %dma_start3A_21 = tpu.memref_squeeze %dma_start3A_20 : memref<1x40x512xi32, #tpu.memory_space<hbm>> -> memref<40x512xi32, #tpu.memory_space<hbm>>
      %dma_start3A_22 = arith.constant 0 : i32
      %dma_start3A_23 = arith.constant 0 : i32
      %dma_start3A_24 = tpu.memref_slice %arg3[%add3A, %dma_start3A_22, %dma_start3A_23] : memref<32x40x512xi32, #tpu.memory_space<hbm>> -> memref<1x40x512xi32, #tpu.memory_space<hbm>>
      %dma_start3A_25 = tpu.memref_squeeze %dma_start3A_24 : memref<1x40x512xi32, #tpu.memory_space<hbm>> -> memref<40x512xi32, #tpu.memory_space<hbm>>
      tpu.enqueue_dma source(%dma_start3A_25 : memref<40x512xi32, #tpu.memory_space<hbm>>) target(%arg7 : memref<40x512xi32, #tpu.memory_space<vmem>>) target_semaphore(%run_scoped3A : memref<!tpu.dma_semaphore, #tpu.memory_space<semaphore_mem>>)
      %dma_wait3A = arith.constant 0 : i32
      %dma_wait3A_26 = arith.constant 0 : i32
      %dma_wait3A_27 = tpu.memref_slice %arg3[%add3A, %dma_wait3A, %dma_wait3A_26] : memref<32x40x512xi32, #tpu.memory_space<hbm>> -> memref<1x40x512xi32, #tpu.memory_space<hbm>>
      %dma_wait3A_28 = tpu.memref_squeeze %dma_wait3A_27 : memref<1x40x512xi32, #tpu.memory_space<hbm>> -> memref<40x512xi32, #tpu.memory_space<hbm>>
      %dma_wait3A_29 = arith.constant 0 : i32
      %dma_wait3A_30 = arith.constant 0 : i32
      %dma_wait3A_31 = tpu.memref_slice %arg3[%add3A, %dma_wait3A_29, %dma_wait3A_30] : memref<32x40x512xi32, #tpu.memory_space<hbm>> -> memref<1x40x512xi32, #tpu.memory_space<hbm>>
      %dma_wait3A_32 = tpu.memref_squeeze %dma_wait3A_31 : memref<1x40x512xi32, #tpu.memory_space<hbm>> -> memref<40x512xi32, #tpu.memory_space<hbm>>
      tpu.wait_dma2 semaphore(%run_scoped3A : memref<!tpu.dma_semaphore, #tpu.memory_space<semaphore_mem>>) src(%dma_wait3A_32 : memref<40x512xi32, #tpu.memory_space<hbm>>) dst(%arg7 : memref<40x512xi32, #tpu.memory_space<vmem>>)
      tpu.yield
    }) : () -> ()
    "tpu.region"() ({
      %run_scoped3A = tpu.sem_alloc : memref<!tpu.dma_semaphore, #tpu.memory_space<semaphore_mem>>
      %dma_start3A = arith.constant 0 : i32
      %dma_start3A_19 = arith.constant 0 : i32
      %dma_start3A_20 = tpu.memref_slice %arg4[%arg1, %dma_start3A, %dma_start3A_19] : memref<16x40x512xi32, #tpu.memory_space<hbm>> -> memref<1x40x512xi32, #tpu.memory_space<hbm>>
      %dma_start3A_21 = tpu.memref_squeeze %dma_start3A_20 : memref<1x40x512xi32, #tpu.memory_space<hbm>> -> memref<40x512xi32, #tpu.memory_space<hbm>>
      %dma_start3A_22 = arith.constant 0 : i32
      %dma_start3A_23 = arith.constant 0 : i32
      %dma_start3A_24 = tpu.memref_slice %arg4[%arg1, %dma_start3A_22, %dma_start3A_23] : memref<16x40x512xi32, #tpu.memory_space<hbm>> -> memref<1x40x512xi32, #tpu.memory_space<hbm>>
      %dma_start3A_25 = tpu.memref_squeeze %dma_start3A_24 : memref<1x40x512xi32, #tpu.memory_space<hbm>> -> memref<40x512xi32, #tpu.memory_space<hbm>>
      tpu.enqueue_dma source(%dma_start3A_25 : memref<40x512xi32, #tpu.memory_space<hbm>>) target(%arg8 : memref<40x512xi32, #tpu.memory_space<vmem>>) target_semaphore(%run_scoped3A : memref<!tpu.dma_semaphore, #tpu.memory_space<semaphore_mem>>)
      %dma_wait3A = arith.constant 0 : i32
      %dma_wait3A_26 = arith.constant 0 : i32
      %dma_wait3A_27 = tpu.memref_slice %arg4[%arg1, %dma_wait3A, %dma_wait3A_26] : memref<16x40x512xi32, #tpu.memory_space<hbm>> -> memref<1x40x512xi32, #tpu.memory_space<hbm>>
      %dma_wait3A_28 = tpu.memref_squeeze %dma_wait3A_27 : memref<1x40x512xi32, #tpu.memory_space<hbm>> -> memref<40x512xi32, #tpu.memory_space<hbm>>
      %dma_wait3A_29 = arith.constant 0 : i32
      %dma_wait3A_30 = arith.constant 0 : i32
      %dma_wait3A_31 = tpu.memref_slice %arg4[%arg1, %dma_wait3A_29, %dma_wait3A_30] : memref<16x40x512xi32, #tpu.memory_space<hbm>> -> memref<1x40x512xi32, #tpu.memory_space<hbm>>
      %dma_wait3A_32 = tpu.memref_squeeze %dma_wait3A_31 : memref<1x40x512xi32, #tpu.memory_space<hbm>> -> memref<40x512xi32, #tpu.memory_space<hbm>>
      tpu.wait_dma2 semaphore(%run_scoped3A : memref<!tpu.dma_semaphore, #tpu.memory_space<semaphore_mem>>) src(%dma_wait3A_32 : memref<40x512xi32, #tpu.memory_space<hbm>>) dst(%arg8 : memref<40x512xi32, #tpu.memory_space<vmem>>)
      tpu.yield
    }) : () -> ()
    %barrier3A = arith.constant 0 : index
    tpu.barrier barrier_id(%barrier3A)
    %scan3A = arith.constant 0 : i32
    %scan3A_13 = arith.constant 0 : i32
    %scan3A_14 = arith.constant 40 : i32
    %scan3A_15 = arith.addi %scan3A_13, %scan3A_14 : i32
    %scan3A_16 = arith.constant 1 : i32
    scf.for %scan3A_19 = %scan3A_13 to %scan3A_15 step %scan3A_16  : i32 {
      %dma_start3A = arith.constant 0 : i32
      %dma_start3A_20 = tpu.memref_slice %arg7[%scan3A_19, %dma_start3A] : memref<40x512xi32, #tpu.memory_space<vmem>> -> memref<1x512xi32, #tpu.memory_space<vmem>>
      %dma_start3A_21 = tpu.memref_squeeze %dma_start3A_20 : memref<1x512xi32, #tpu.memory_space<vmem>> -> memref<512xi32, #tpu.memory_space<vmem>>
      %dma_start3A_22 = arith.constant 0 : i32
      %dma_start3A_23 = arith.constant 0 : i32
      %dma_start3A_24 = tpu.memref_slice %arg2[%dma_start3A_22, %dma_start3A_23] : memref<20000x64xf32, #tpu.memory_space<hbm>> -> memref<20000x64xf32, #tpu.memory_space<hbm>>
      tpu.enqueue_indirect_dma source(%dma_start3A_24 : memref<20000x64xf32, #tpu.memory_space<hbm>>) target(%arg9 : memref<512x64xf32, #tpu.memory_space<vmem>>) offsets(%dma_start3A_21 : memref<512xi32, #tpu.memory_space<vmem>>) semaphore(%arg11 : memref<!tpu.dma_semaphore, #tpu.memory_space<semaphore_mem>>)
      %dma_wait3A = arith.constant 0 : i32
      %dma_wait3A_25 = tpu.memref_slice %arg7[%scan3A_19, %dma_wait3A] : memref<40x512xi32, #tpu.memory_space<vmem>> -> memref<1x512xi32, #tpu.memory_space<vmem>>
      %dma_wait3A_26 = tpu.memref_squeeze %dma_wait3A_25 : memref<1x512xi32, #tpu.memory_space<vmem>> -> memref<512xi32, #tpu.memory_space<vmem>>
      %dma_wait3A_27 = arith.constant 0 : i32
      %dma_wait3A_28 = arith.constant 0 : i32
      %dma_wait3A_29 = tpu.memref_slice %arg2[%dma_wait3A_27, %dma_wait3A_28] : memref<20000x64xf32, #tpu.memory_space<hbm>> -> memref<20000x64xf32, #tpu.memory_space<hbm>>
      tpu.wait_indirect_dma semaphore(%arg11 : memref<!tpu.dma_semaphore, #tpu.memory_space<semaphore_mem>>) src(%dma_wait3A_29 : memref<20000x64xf32, #tpu.memory_space<hbm>>) dst(%arg9 : memref<512x64xf32, #tpu.memory_space<vmem>>)
      "tpu.region"() ({
        %run_scoped3A = tpu.sem_alloc : memref<!tpu.dma_semaphore, #tpu.memory_space<semaphore_mem>>
        %dma_start3A_30 = arith.constant 0 : i32
        %dma_start3A_31 = tpu.memref_slice %arg8[%scan3A_19, %dma_start3A_30] : memref<40x512xi32, #tpu.memory_space<vmem>> -> memref<1x512xi32, #tpu.memory_space<vmem>>
        %dma_start3A_32 = tpu.memref_squeeze %dma_start3A_31 : memref<1x512xi32, #tpu.memory_space<vmem>> -> memref<512xi32, #tpu.memory_space<vmem>>
        %dma_start3A_33 = arith.constant 0 : i32
        %dma_start3A_34 = arith.constant 0 : i32
        %dma_start3A_35 = tpu.memref_slice %arg10[%dma_start3A_33, %dma_start3A_34] : memref<10240x64xf32, #tpu.memory_space<vmem_shared>> -> memref<10240x64xf32, #tpu.memory_space<vmem_shared>>
        tpu.enqueue_indirect_dma source(%arg9 : memref<512x64xf32, #tpu.memory_space<vmem>>) target(%dma_start3A_35 : memref<10240x64xf32, #tpu.memory_space<vmem_shared>>) offsets(%dma_start3A_32 : memref<512xi32, #tpu.memory_space<vmem>>) semaphore(%run_scoped3A : memref<!tpu.dma_semaphore, #tpu.memory_space<semaphore_mem>>) {add = true}
        %dma_wait3A_36 = arith.constant 0 : i32
        %dma_wait3A_37 = tpu.memref_slice %arg8[%scan3A_19, %dma_wait3A_36] : memref<40x512xi32, #tpu.memory_space<vmem>> -> memref<1x512xi32, #tpu.memory_space<vmem>>
        %dma_wait3A_38 = tpu.memref_squeeze %dma_wait3A_37 : memref<1x512xi32, #tpu.memory_space<vmem>> -> memref<512xi32, #tpu.memory_space<vmem>>
        %dma_wait3A_39 = arith.constant 0 : i32
        %dma_wait3A_40 = arith.constant 0 : i32
        %dma_wait3A_41 = tpu.memref_slice %arg10[%dma_wait3A_39, %dma_wait3A_40] : memref<10240x64xf32, #tpu.memory_space<vmem_shared>> -> memref<10240x64xf32, #tpu.memory_space<vmem_shared>>
        tpu.wait_indirect_dma semaphore(%run_scoped3A : memref<!tpu.dma_semaphore, #tpu.memory_space<semaphore_mem>>) src(%arg9 : memref<512x64xf32, #tpu.memory_space<vmem>>) dst(%dma_wait3A_41 : memref<10240x64xf32, #tpu.memory_space<vmem_shared>>)
        tpu.yield
      }) : () -> ()
    }
    %scan3A_17 = arith.constant 40 : i32
    %barrier3A_18 = arith.constant 0 : index
    tpu.barrier barrier_id(%barrier3A_18)
    "tpu.region"() ({
      %run_scoped3A = tpu.sem_alloc : memref<!tpu.dma_semaphore, #tpu.memory_space<semaphore_mem>>
      %dma_start3A = arith.constant 0 : i32
      %dma_start3A_19 = tpu.memref_slice %arg6[%arg0, %mul3A_2, %dma_start3A] : memref<2x10240x64xf32, #tpu.memory_space<hbm>> -> memref<1x640x64xf32, #tpu.memory_space<hbm>>
      %dma_start3A_20 = tpu.memref_squeeze %dma_start3A_19 : memref<1x640x64xf32, #tpu.memory_space<hbm>> -> memref<640x64xf32, #tpu.memory_space<hbm>>
      %dma_start3A_21 = arith.constant 0 : i32
      %dma_start3A_22 = tpu.memref_slice %arg10[%mul3A_2, %dma_start3A_21] : memref<10240x64xf32, #tpu.memory_space<vmem_shared>> -> memref<640x64xf32, #tpu.memory_space<vmem_shared>>
      tpu.enqueue_dma source(%dma_start3A_22 : memref<640x64xf32, #tpu.memory_space<vmem_shared>>) target(%dma_start3A_20 : memref<640x64xf32, #tpu.memory_space<hbm>>) target_semaphore(%run_scoped3A : memref<!tpu.dma_semaphore, #tpu.memory_space<semaphore_mem>>)
      %dma_wait3A = arith.constant 0 : i32
      %dma_wait3A_23 = tpu.memref_slice %arg6[%arg0, %mul3A_2, %dma_wait3A] : memref<2x10240x64xf32, #tpu.memory_space<hbm>> -> memref<1x640x64xf32, #tpu.memory_space<hbm>>
      %dma_wait3A_24 = tpu.memref_squeeze %dma_wait3A_23 : memref<1x640x64xf32, #tpu.memory_space<hbm>> -> memref<640x64xf32, #tpu.memory_space<hbm>>
      %dma_wait3A_25 = arith.constant 0 : i32
      %dma_wait3A_26 = tpu.memref_slice %arg10[%mul3A_2, %dma_wait3A_25] : memref<10240x64xf32, #tpu.memory_space<vmem_shared>> -> memref<640x64xf32, #tpu.memory_space<vmem_shared>>
      tpu.wait_dma2 semaphore(%run_scoped3A : memref<!tpu.dma_semaphore, #tpu.memory_space<semaphore_mem>>) src(%dma_wait3A_26 : memref<640x64xf32, #tpu.memory_space<vmem_shared>>) dst(%dma_wait3A_24 : memref<640x64xf32, #tpu.memory_space<hbm>>)
      tpu.yield
    }) : () -> ()
    return
  }
}

#map = affine_map<(d0, d1) -> (0, 0)>
#map1 = affine_map<(d0, d1) -> (0, 0, 0)>
module attributes {stable_mosaic.version = 14 : i64} {
  func.func @edge_agg(%arg0: i32, %arg1: i32, %arg2: memref<20000x16xf32, #tpu.memory_space<hbm>>, %arg3: memref<32x40x512xi32, #tpu.memory_space<hbm>>, %arg4: memref<16x40x512xi32, #tpu.memory_space<hbm>>, %arg5: memref<128x16xf32, #tpu.memory_space<hbm>>, %arg6: memref<2x10240x16xf32, #tpu.memory_space<hbm>>, %arg7: memref<40x512xi32, #tpu.memory_space<vmem>>, %arg8: memref<40x512xi32, #tpu.memory_space<vmem>>, %arg9: memref<512x16xf32, #tpu.memory_space<vmem>>, %arg10: memref<10240x16xf32, #tpu.memory_space<vmem_shared>>, %arg11: memref<!tpu.dma_semaphore, #tpu.memory_space<semaphore_mem>>) attributes {dimension_semantics = [#tpu.dimension_semantics<core_parallel>, #tpu.dimension_semantics<subcore_parallel>], iteration_bounds = array<i64: 2, 16>, scalar_prefetch = 0 : i64, scratch_operands = 5 : i64, tpu.core_type = #tpu.core_type<sc_vector_subcore>, window_params = [{transform_indices = #map}, {transform_indices = #map1}, {transform_indices = #map1}, {transform_indices = #map}, {transform_indices = #map1}]} {
    %mul3A = arith.constant 16 : i32
    %mul3A_0 = arith.muli %arg0, %mul3A : i32
    %add3A = arith.addi %mul3A_0, %arg1 : i32
    %mul3A_1 = arith.constant 640 : i32
    %mul3A_2 = arith.muli %arg1, %mul3A_1 : i32
    %add3A_3 = arith.constant 0 : i32
    %add3A_4 = arith.addi %mul3A_2, %add3A_3 : i32
    "tpu.region"() ({
      %run_scoped3A = tpu.sem_alloc : memref<!tpu.dma_semaphore, #tpu.memory_space<semaphore_mem>>
      %dma_start3A = arith.constant 0 : i32
      %dma_start3A_19 = tpu.memref_slice %arg10[%add3A_4, %dma_start3A] : memref<10240x16xf32, #tpu.memory_space<vmem_shared>> -> memref<128x16xf32, #tpu.memory_space<vmem_shared>>
      tpu.enqueue_dma source(%arg5 : memref<128x16xf32, #tpu.memory_space<hbm>>) target(%dma_start3A_19 : memref<128x16xf32, #tpu.memory_space<vmem_shared>>) target_semaphore(%run_scoped3A : memref<!tpu.dma_semaphore, #tpu.memory_space<semaphore_mem>>)
      %dma_wait3A = arith.constant 0 : i32
      %dma_wait3A_20 = tpu.memref_slice %arg10[%add3A_4, %dma_wait3A] : memref<10240x16xf32, #tpu.memory_space<vmem_shared>> -> memref<128x16xf32, #tpu.memory_space<vmem_shared>>
      tpu.wait_dma2 semaphore(%run_scoped3A : memref<!tpu.dma_semaphore, #tpu.memory_space<semaphore_mem>>) src(%arg5 : memref<128x16xf32, #tpu.memory_space<hbm>>) dst(%dma_wait3A_20 : memref<128x16xf32, #tpu.memory_space<vmem_shared>>)
      tpu.yield
    }) : () -> ()
    %add3A_5 = arith.constant 128 : i32
    %add3A_6 = arith.addi %mul3A_2, %add3A_5 : i32
    "tpu.region"() ({
      %run_scoped3A = tpu.sem_alloc : memref<!tpu.dma_semaphore, #tpu.memory_space<semaphore_mem>>
      %dma_start3A = arith.constant 0 : i32
      %dma_start3A_19 = tpu.memref_slice %arg10[%add3A_6, %dma_start3A] : memref<10240x16xf32, #tpu.memory_space<vmem_shared>> -> memref<128x16xf32, #tpu.memory_space<vmem_shared>>
      tpu.enqueue_dma source(%arg5 : memref<128x16xf32, #tpu.memory_space<hbm>>) target(%dma_start3A_19 : memref<128x16xf32, #tpu.memory_space<vmem_shared>>) target_semaphore(%run_scoped3A : memref<!tpu.dma_semaphore, #tpu.memory_space<semaphore_mem>>)
      %dma_wait3A = arith.constant 0 : i32
      %dma_wait3A_20 = tpu.memref_slice %arg10[%add3A_6, %dma_wait3A] : memref<10240x16xf32, #tpu.memory_space<vmem_shared>> -> memref<128x16xf32, #tpu.memory_space<vmem_shared>>
      tpu.wait_dma2 semaphore(%run_scoped3A : memref<!tpu.dma_semaphore, #tpu.memory_space<semaphore_mem>>) src(%arg5 : memref<128x16xf32, #tpu.memory_space<hbm>>) dst(%dma_wait3A_20 : memref<128x16xf32, #tpu.memory_space<vmem_shared>>)
      tpu.yield
    }) : () -> ()
    %add3A_7 = arith.constant 256 : i32
    %add3A_8 = arith.addi %mul3A_2, %add3A_7 : i32
    "tpu.region"() ({
      %run_scoped3A = tpu.sem_alloc : memref<!tpu.dma_semaphore, #tpu.memory_space<semaphore_mem>>
      %dma_start3A = arith.constant 0 : i32
      %dma_start3A_19 = tpu.memref_slice %arg10[%add3A_8, %dma_start3A] : memref<10240x16xf32, #tpu.memory_space<vmem_shared>> -> memref<128x16xf32, #tpu.memory_space<vmem_shared>>
      tpu.enqueue_dma source(%arg5 : memref<128x16xf32, #tpu.memory_space<hbm>>) target(%dma_start3A_19 : memref<128x16xf32, #tpu.memory_space<vmem_shared>>) target_semaphore(%run_scoped3A : memref<!tpu.dma_semaphore, #tpu.memory_space<semaphore_mem>>)
      %dma_wait3A = arith.constant 0 : i32
      %dma_wait3A_20 = tpu.memref_slice %arg10[%add3A_8, %dma_wait3A] : memref<10240x16xf32, #tpu.memory_space<vmem_shared>> -> memref<128x16xf32, #tpu.memory_space<vmem_shared>>
      tpu.wait_dma2 semaphore(%run_scoped3A : memref<!tpu.dma_semaphore, #tpu.memory_space<semaphore_mem>>) src(%arg5 : memref<128x16xf32, #tpu.memory_space<hbm>>) dst(%dma_wait3A_20 : memref<128x16xf32, #tpu.memory_space<vmem_shared>>)
      tpu.yield
    }) : () -> ()
    %add3A_9 = arith.constant 384 : i32
    %add3A_10 = arith.addi %mul3A_2, %add3A_9 : i32
    "tpu.region"() ({
      %run_scoped3A = tpu.sem_alloc : memref<!tpu.dma_semaphore, #tpu.memory_space<semaphore_mem>>
      %dma_start3A = arith.constant 0 : i32
      %dma_start3A_19 = tpu.memref_slice %arg10[%add3A_10, %dma_start3A] : memref<10240x16xf32, #tpu.memory_space<vmem_shared>> -> memref<128x16xf32, #tpu.memory_space<vmem_shared>>
      tpu.enqueue_dma source(%arg5 : memref<128x16xf32, #tpu.memory_space<hbm>>) target(%dma_start3A_19 : memref<128x16xf32, #tpu.memory_space<vmem_shared>>) target_semaphore(%run_scoped3A : memref<!tpu.dma_semaphore, #tpu.memory_space<semaphore_mem>>)
      %dma_wait3A = arith.constant 0 : i32
      %dma_wait3A_20 = tpu.memref_slice %arg10[%add3A_10, %dma_wait3A] : memref<10240x16xf32, #tpu.memory_space<vmem_shared>> -> memref<128x16xf32, #tpu.memory_space<vmem_shared>>
      tpu.wait_dma2 semaphore(%run_scoped3A : memref<!tpu.dma_semaphore, #tpu.memory_space<semaphore_mem>>) src(%arg5 : memref<128x16xf32, #tpu.memory_space<hbm>>) dst(%dma_wait3A_20 : memref<128x16xf32, #tpu.memory_space<vmem_shared>>)
      tpu.yield
    }) : () -> ()
    %add3A_11 = arith.constant 512 : i32
    %add3A_12 = arith.addi %mul3A_2, %add3A_11 : i32
    "tpu.region"() ({
      %run_scoped3A = tpu.sem_alloc : memref<!tpu.dma_semaphore, #tpu.memory_space<semaphore_mem>>
      %dma_start3A = arith.constant 0 : i32
      %dma_start3A_19 = tpu.memref_slice %arg10[%add3A_12, %dma_start3A] : memref<10240x16xf32, #tpu.memory_space<vmem_shared>> -> memref<128x16xf32, #tpu.memory_space<vmem_shared>>
      tpu.enqueue_dma source(%arg5 : memref<128x16xf32, #tpu.memory_space<hbm>>) target(%dma_start3A_19 : memref<128x16xf32, #tpu.memory_space<vmem_shared>>) target_semaphore(%run_scoped3A : memref<!tpu.dma_semaphore, #tpu.memory_space<semaphore_mem>>)
      %dma_wait3A = arith.constant 0 : i32
      %dma_wait3A_20 = tpu.memref_slice %arg10[%add3A_12, %dma_wait3A] : memref<10240x16xf32, #tpu.memory_space<vmem_shared>> -> memref<128x16xf32, #tpu.memory_space<vmem_shared>>
      tpu.wait_dma2 semaphore(%run_scoped3A : memref<!tpu.dma_semaphore, #tpu.memory_space<semaphore_mem>>) src(%arg5 : memref<128x16xf32, #tpu.memory_space<hbm>>) dst(%dma_wait3A_20 : memref<128x16xf32, #tpu.memory_space<vmem_shared>>)
      tpu.yield
    }) : () -> ()
    "tpu.region"() ({
      %run_scoped3A = tpu.sem_alloc : memref<!tpu.dma_semaphore, #tpu.memory_space<semaphore_mem>>
      %dma_start3A = arith.constant 0 : i32
      %dma_start3A_19 = arith.constant 0 : i32
      %dma_start3A_20 = tpu.memref_slice %arg3[%add3A, %dma_start3A, %dma_start3A_19] : memref<32x40x512xi32, #tpu.memory_space<hbm>> -> memref<1x40x512xi32, #tpu.memory_space<hbm>>
      %dma_start3A_21 = tpu.memref_squeeze %dma_start3A_20 : memref<1x40x512xi32, #tpu.memory_space<hbm>> -> memref<40x512xi32, #tpu.memory_space<hbm>>
      %dma_start3A_22 = arith.constant 0 : i32
      %dma_start3A_23 = arith.constant 0 : i32
      %dma_start3A_24 = tpu.memref_slice %arg3[%add3A, %dma_start3A_22, %dma_start3A_23] : memref<32x40x512xi32, #tpu.memory_space<hbm>> -> memref<1x40x512xi32, #tpu.memory_space<hbm>>
      %dma_start3A_25 = tpu.memref_squeeze %dma_start3A_24 : memref<1x40x512xi32, #tpu.memory_space<hbm>> -> memref<40x512xi32, #tpu.memory_space<hbm>>
      tpu.enqueue_dma source(%dma_start3A_25 : memref<40x512xi32, #tpu.memory_space<hbm>>) target(%arg7 : memref<40x512xi32, #tpu.memory_space<vmem>>) target_semaphore(%run_scoped3A : memref<!tpu.dma_semaphore, #tpu.memory_space<semaphore_mem>>)
      %dma_wait3A = arith.constant 0 : i32
      %dma_wait3A_26 = arith.constant 0 : i32
      %dma_wait3A_27 = tpu.memref_slice %arg3[%add3A, %dma_wait3A, %dma_wait3A_26] : memref<32x40x512xi32, #tpu.memory_space<hbm>> -> memref<1x40x512xi32, #tpu.memory_space<hbm>>
      %dma_wait3A_28 = tpu.memref_squeeze %dma_wait3A_27 : memref<1x40x512xi32, #tpu.memory_space<hbm>> -> memref<40x512xi32, #tpu.memory_space<hbm>>
      %dma_wait3A_29 = arith.constant 0 : i32
      %dma_wait3A_30 = arith.constant 0 : i32
      %dma_wait3A_31 = tpu.memref_slice %arg3[%add3A, %dma_wait3A_29, %dma_wait3A_30] : memref<32x40x512xi32, #tpu.memory_space<hbm>> -> memref<1x40x512xi32, #tpu.memory_space<hbm>>
      %dma_wait3A_32 = tpu.memref_squeeze %dma_wait3A_31 : memref<1x40x512xi32, #tpu.memory_space<hbm>> -> memref<40x512xi32, #tpu.memory_space<hbm>>
      tpu.wait_dma2 semaphore(%run_scoped3A : memref<!tpu.dma_semaphore, #tpu.memory_space<semaphore_mem>>) src(%dma_wait3A_32 : memref<40x512xi32, #tpu.memory_space<hbm>>) dst(%arg7 : memref<40x512xi32, #tpu.memory_space<vmem>>)
      tpu.yield
    }) : () -> ()
    "tpu.region"() ({
      %run_scoped3A = tpu.sem_alloc : memref<!tpu.dma_semaphore, #tpu.memory_space<semaphore_mem>>
      %dma_start3A = arith.constant 0 : i32
      %dma_start3A_19 = arith.constant 0 : i32
      %dma_start3A_20 = tpu.memref_slice %arg4[%arg1, %dma_start3A, %dma_start3A_19] : memref<16x40x512xi32, #tpu.memory_space<hbm>> -> memref<1x40x512xi32, #tpu.memory_space<hbm>>
      %dma_start3A_21 = tpu.memref_squeeze %dma_start3A_20 : memref<1x40x512xi32, #tpu.memory_space<hbm>> -> memref<40x512xi32, #tpu.memory_space<hbm>>
      %dma_start3A_22 = arith.constant 0 : i32
      %dma_start3A_23 = arith.constant 0 : i32
      %dma_start3A_24 = tpu.memref_slice %arg4[%arg1, %dma_start3A_22, %dma_start3A_23] : memref<16x40x512xi32, #tpu.memory_space<hbm>> -> memref<1x40x512xi32, #tpu.memory_space<hbm>>
      %dma_start3A_25 = tpu.memref_squeeze %dma_start3A_24 : memref<1x40x512xi32, #tpu.memory_space<hbm>> -> memref<40x512xi32, #tpu.memory_space<hbm>>
      tpu.enqueue_dma source(%dma_start3A_25 : memref<40x512xi32, #tpu.memory_space<hbm>>) target(%arg8 : memref<40x512xi32, #tpu.memory_space<vmem>>) target_semaphore(%run_scoped3A : memref<!tpu.dma_semaphore, #tpu.memory_space<semaphore_mem>>)
      %dma_wait3A = arith.constant 0 : i32
      %dma_wait3A_26 = arith.constant 0 : i32
      %dma_wait3A_27 = tpu.memref_slice %arg4[%arg1, %dma_wait3A, %dma_wait3A_26] : memref<16x40x512xi32, #tpu.memory_space<hbm>> -> memref<1x40x512xi32, #tpu.memory_space<hbm>>
      %dma_wait3A_28 = tpu.memref_squeeze %dma_wait3A_27 : memref<1x40x512xi32, #tpu.memory_space<hbm>> -> memref<40x512xi32, #tpu.memory_space<hbm>>
      %dma_wait3A_29 = arith.constant 0 : i32
      %dma_wait3A_30 = arith.constant 0 : i32
      %dma_wait3A_31 = tpu.memref_slice %arg4[%arg1, %dma_wait3A_29, %dma_wait3A_30] : memref<16x40x512xi32, #tpu.memory_space<hbm>> -> memref<1x40x512xi32, #tpu.memory_space<hbm>>
      %dma_wait3A_32 = tpu.memref_squeeze %dma_wait3A_31 : memref<1x40x512xi32, #tpu.memory_space<hbm>> -> memref<40x512xi32, #tpu.memory_space<hbm>>
      tpu.wait_dma2 semaphore(%run_scoped3A : memref<!tpu.dma_semaphore, #tpu.memory_space<semaphore_mem>>) src(%dma_wait3A_32 : memref<40x512xi32, #tpu.memory_space<hbm>>) dst(%arg8 : memref<40x512xi32, #tpu.memory_space<vmem>>)
      tpu.yield
    }) : () -> ()
    %barrier3A = arith.constant 0 : index
    tpu.barrier barrier_id(%barrier3A)
    %scan3A = arith.constant 0 : i32
    %scan3A_13 = arith.constant 0 : i32
    %scan3A_14 = arith.constant 40 : i32
    %scan3A_15 = arith.addi %scan3A_13, %scan3A_14 : i32
    %scan3A_16 = arith.constant 1 : i32
    scf.for %scan3A_19 = %scan3A_13 to %scan3A_15 step %scan3A_16  : i32 {
      %dma_start3A = arith.constant 0 : i32
      %dma_start3A_20 = tpu.memref_slice %arg7[%scan3A_19, %dma_start3A] : memref<40x512xi32, #tpu.memory_space<vmem>> -> memref<1x512xi32, #tpu.memory_space<vmem>>
      %dma_start3A_21 = tpu.memref_squeeze %dma_start3A_20 : memref<1x512xi32, #tpu.memory_space<vmem>> -> memref<512xi32, #tpu.memory_space<vmem>>
      %dma_start3A_22 = arith.constant 0 : i32
      %dma_start3A_23 = arith.constant 0 : i32
      %dma_start3A_24 = tpu.memref_slice %arg2[%dma_start3A_22, %dma_start3A_23] : memref<20000x16xf32, #tpu.memory_space<hbm>> -> memref<20000x16xf32, #tpu.memory_space<hbm>>
      tpu.enqueue_indirect_dma source(%dma_start3A_24 : memref<20000x16xf32, #tpu.memory_space<hbm>>) target(%arg9 : memref<512x16xf32, #tpu.memory_space<vmem>>) offsets(%dma_start3A_21 : memref<512xi32, #tpu.memory_space<vmem>>) semaphore(%arg11 : memref<!tpu.dma_semaphore, #tpu.memory_space<semaphore_mem>>)
      %dma_wait3A = arith.constant 0 : i32
      %dma_wait3A_25 = tpu.memref_slice %arg7[%scan3A_19, %dma_wait3A] : memref<40x512xi32, #tpu.memory_space<vmem>> -> memref<1x512xi32, #tpu.memory_space<vmem>>
      %dma_wait3A_26 = tpu.memref_squeeze %dma_wait3A_25 : memref<1x512xi32, #tpu.memory_space<vmem>> -> memref<512xi32, #tpu.memory_space<vmem>>
      %dma_wait3A_27 = arith.constant 0 : i32
      %dma_wait3A_28 = arith.constant 0 : i32
      %dma_wait3A_29 = tpu.memref_slice %arg2[%dma_wait3A_27, %dma_wait3A_28] : memref<20000x16xf32, #tpu.memory_space<hbm>> -> memref<20000x16xf32, #tpu.memory_space<hbm>>
      tpu.wait_indirect_dma semaphore(%arg11 : memref<!tpu.dma_semaphore, #tpu.memory_space<semaphore_mem>>) src(%dma_wait3A_29 : memref<20000x16xf32, #tpu.memory_space<hbm>>) dst(%arg9 : memref<512x16xf32, #tpu.memory_space<vmem>>)
      "tpu.region"() ({
        %run_scoped3A = tpu.sem_alloc : memref<!tpu.dma_semaphore, #tpu.memory_space<semaphore_mem>>
        %dma_start3A_30 = arith.constant 0 : i32
        %dma_start3A_31 = tpu.memref_slice %arg8[%scan3A_19, %dma_start3A_30] : memref<40x512xi32, #tpu.memory_space<vmem>> -> memref<1x512xi32, #tpu.memory_space<vmem>>
        %dma_start3A_32 = tpu.memref_squeeze %dma_start3A_31 : memref<1x512xi32, #tpu.memory_space<vmem>> -> memref<512xi32, #tpu.memory_space<vmem>>
        %dma_start3A_33 = arith.constant 0 : i32
        %dma_start3A_34 = arith.constant 0 : i32
        %dma_start3A_35 = tpu.memref_slice %arg10[%dma_start3A_33, %dma_start3A_34] : memref<10240x16xf32, #tpu.memory_space<vmem_shared>> -> memref<10240x16xf32, #tpu.memory_space<vmem_shared>>
        tpu.enqueue_indirect_dma source(%arg9 : memref<512x16xf32, #tpu.memory_space<vmem>>) target(%dma_start3A_35 : memref<10240x16xf32, #tpu.memory_space<vmem_shared>>) offsets(%dma_start3A_32 : memref<512xi32, #tpu.memory_space<vmem>>) semaphore(%run_scoped3A : memref<!tpu.dma_semaphore, #tpu.memory_space<semaphore_mem>>) {add = true}
        %dma_wait3A_36 = arith.constant 0 : i32
        %dma_wait3A_37 = tpu.memref_slice %arg8[%scan3A_19, %dma_wait3A_36] : memref<40x512xi32, #tpu.memory_space<vmem>> -> memref<1x512xi32, #tpu.memory_space<vmem>>
        %dma_wait3A_38 = tpu.memref_squeeze %dma_wait3A_37 : memref<1x512xi32, #tpu.memory_space<vmem>> -> memref<512xi32, #tpu.memory_space<vmem>>
        %dma_wait3A_39 = arith.constant 0 : i32
        %dma_wait3A_40 = arith.constant 0 : i32
        %dma_wait3A_41 = tpu.memref_slice %arg10[%dma_wait3A_39, %dma_wait3A_40] : memref<10240x16xf32, #tpu.memory_space<vmem_shared>> -> memref<10240x16xf32, #tpu.memory_space<vmem_shared>>
        tpu.wait_indirect_dma semaphore(%run_scoped3A : memref<!tpu.dma_semaphore, #tpu.memory_space<semaphore_mem>>) src(%arg9 : memref<512x16xf32, #tpu.memory_space<vmem>>) dst(%dma_wait3A_41 : memref<10240x16xf32, #tpu.memory_space<vmem_shared>>)
        tpu.yield
      }) : () -> ()
    }
    %scan3A_17 = arith.constant 40 : i32
    %barrier3A_18 = arith.constant 0 : index
    tpu.barrier barrier_id(%barrier3A_18)
    "tpu.region"() ({
      %run_scoped3A = tpu.sem_alloc : memref<!tpu.dma_semaphore, #tpu.memory_space<semaphore_mem>>
      %dma_start3A = arith.constant 0 : i32
      %dma_start3A_19 = tpu.memref_slice %arg6[%arg0, %mul3A_2, %dma_start3A] : memref<2x10240x16xf32, #tpu.memory_space<hbm>> -> memref<1x640x16xf32, #tpu.memory_space<hbm>>
      %dma_start3A_20 = tpu.memref_squeeze %dma_start3A_19 : memref<1x640x16xf32, #tpu.memory_space<hbm>> -> memref<640x16xf32, #tpu.memory_space<hbm>>
      %dma_start3A_21 = arith.constant 0 : i32
      %dma_start3A_22 = tpu.memref_slice %arg10[%mul3A_2, %dma_start3A_21] : memref<10240x16xf32, #tpu.memory_space<vmem_shared>> -> memref<640x16xf32, #tpu.memory_space<vmem_shared>>
      tpu.enqueue_dma source(%dma_start3A_22 : memref<640x16xf32, #tpu.memory_space<vmem_shared>>) target(%dma_start3A_20 : memref<640x16xf32, #tpu.memory_space<hbm>>) target_semaphore(%run_scoped3A : memref<!tpu.dma_semaphore, #tpu.memory_space<semaphore_mem>>)
      %dma_wait3A = arith.constant 0 : i32
      %dma_wait3A_23 = tpu.memref_slice %arg6[%arg0, %mul3A_2, %dma_wait3A] : memref<2x10240x16xf32, #tpu.memory_space<hbm>> -> memref<1x640x16xf32, #tpu.memory_space<hbm>>
      %dma_wait3A_24 = tpu.memref_squeeze %dma_wait3A_23 : memref<1x640x16xf32, #tpu.memory_space<hbm>> -> memref<640x16xf32, #tpu.memory_space<hbm>>
      %dma_wait3A_25 = arith.constant 0 : i32
      %dma_wait3A_26 = tpu.memref_slice %arg10[%mul3A_2, %dma_wait3A_25] : memref<10240x16xf32, #tpu.memory_space<vmem_shared>> -> memref<640x16xf32, #tpu.memory_space<vmem_shared>>
      tpu.wait_dma2 semaphore(%run_scoped3A : memref<!tpu.dma_semaphore, #tpu.memory_space<semaphore_mem>>) src(%dma_wait3A_26 : memref<640x16xf32, #tpu.memory_space<vmem_shared>>) dst(%dma_wait3A_24 : memref<640x16xf32, #tpu.memory_space<hbm>>)
      tpu.yield
    }) : () -> ()
    return
  }
}

#map = affine_map<(d0, d1) -> (0, 0)>
#map1 = affine_map<(d0, d1) -> (0, 0, 0)>
module attributes {stable_mosaic.version = 14 : i64} {
  func.func @edge_agg(%arg0: i32, %arg1: i32, %arg2: memref<20000x32xf32, #tpu.memory_space<hbm>>, %arg3: memref<32x40x512xi32, #tpu.memory_space<hbm>>, %arg4: memref<16x40x512xi32, #tpu.memory_space<hbm>>, %arg5: memref<128x32xf32, #tpu.memory_space<hbm>>, %arg6: memref<2x10240x32xf32, #tpu.memory_space<hbm>>, %arg7: memref<40x512xi32, #tpu.memory_space<vmem>>, %arg8: memref<40x512xi32, #tpu.memory_space<vmem>>, %arg9: memref<512x32xf32, #tpu.memory_space<vmem>>, %arg10: memref<10240x32xf32, #tpu.memory_space<vmem_shared>>, %arg11: memref<!tpu.dma_semaphore, #tpu.memory_space<semaphore_mem>>) attributes {dimension_semantics = [#tpu.dimension_semantics<core_parallel>, #tpu.dimension_semantics<subcore_parallel>], iteration_bounds = array<i64: 2, 16>, scalar_prefetch = 0 : i64, scratch_operands = 5 : i64, tpu.core_type = #tpu.core_type<sc_vector_subcore>, window_params = [{transform_indices = #map}, {transform_indices = #map1}, {transform_indices = #map1}, {transform_indices = #map}, {transform_indices = #map1}]} {
    %mul3A = arith.constant 16 : i32
    %mul3A_0 = arith.muli %arg0, %mul3A : i32
    %add3A = arith.addi %mul3A_0, %arg1 : i32
    %mul3A_1 = arith.constant 640 : i32
    %mul3A_2 = arith.muli %arg1, %mul3A_1 : i32
    %add3A_3 = arith.constant 0 : i32
    %add3A_4 = arith.addi %mul3A_2, %add3A_3 : i32
    "tpu.region"() ({
      %run_scoped3A = tpu.sem_alloc : memref<!tpu.dma_semaphore, #tpu.memory_space<semaphore_mem>>
      %dma_start3A = arith.constant 0 : i32
      %dma_start3A_19 = tpu.memref_slice %arg10[%add3A_4, %dma_start3A] : memref<10240x32xf32, #tpu.memory_space<vmem_shared>> -> memref<128x32xf32, #tpu.memory_space<vmem_shared>>
      tpu.enqueue_dma source(%arg5 : memref<128x32xf32, #tpu.memory_space<hbm>>) target(%dma_start3A_19 : memref<128x32xf32, #tpu.memory_space<vmem_shared>>) target_semaphore(%run_scoped3A : memref<!tpu.dma_semaphore, #tpu.memory_space<semaphore_mem>>)
      %dma_wait3A = arith.constant 0 : i32
      %dma_wait3A_20 = tpu.memref_slice %arg10[%add3A_4, %dma_wait3A] : memref<10240x32xf32, #tpu.memory_space<vmem_shared>> -> memref<128x32xf32, #tpu.memory_space<vmem_shared>>
      tpu.wait_dma2 semaphore(%run_scoped3A : memref<!tpu.dma_semaphore, #tpu.memory_space<semaphore_mem>>) src(%arg5 : memref<128x32xf32, #tpu.memory_space<hbm>>) dst(%dma_wait3A_20 : memref<128x32xf32, #tpu.memory_space<vmem_shared>>)
      tpu.yield
    }) : () -> ()
    %add3A_5 = arith.constant 128 : i32
    %add3A_6 = arith.addi %mul3A_2, %add3A_5 : i32
    "tpu.region"() ({
      %run_scoped3A = tpu.sem_alloc : memref<!tpu.dma_semaphore, #tpu.memory_space<semaphore_mem>>
      %dma_start3A = arith.constant 0 : i32
      %dma_start3A_19 = tpu.memref_slice %arg10[%add3A_6, %dma_start3A] : memref<10240x32xf32, #tpu.memory_space<vmem_shared>> -> memref<128x32xf32, #tpu.memory_space<vmem_shared>>
      tpu.enqueue_dma source(%arg5 : memref<128x32xf32, #tpu.memory_space<hbm>>) target(%dma_start3A_19 : memref<128x32xf32, #tpu.memory_space<vmem_shared>>) target_semaphore(%run_scoped3A : memref<!tpu.dma_semaphore, #tpu.memory_space<semaphore_mem>>)
      %dma_wait3A = arith.constant 0 : i32
      %dma_wait3A_20 = tpu.memref_slice %arg10[%add3A_6, %dma_wait3A] : memref<10240x32xf32, #tpu.memory_space<vmem_shared>> -> memref<128x32xf32, #tpu.memory_space<vmem_shared>>
      tpu.wait_dma2 semaphore(%run_scoped3A : memref<!tpu.dma_semaphore, #tpu.memory_space<semaphore_mem>>) src(%arg5 : memref<128x32xf32, #tpu.memory_space<hbm>>) dst(%dma_wait3A_20 : memref<128x32xf32, #tpu.memory_space<vmem_shared>>)
      tpu.yield
    }) : () -> ()
    %add3A_7 = arith.constant 256 : i32
    %add3A_8 = arith.addi %mul3A_2, %add3A_7 : i32
    "tpu.region"() ({
      %run_scoped3A = tpu.sem_alloc : memref<!tpu.dma_semaphore, #tpu.memory_space<semaphore_mem>>
      %dma_start3A = arith.constant 0 : i32
      %dma_start3A_19 = tpu.memref_slice %arg10[%add3A_8, %dma_start3A] : memref<10240x32xf32, #tpu.memory_space<vmem_shared>> -> memref<128x32xf32, #tpu.memory_space<vmem_shared>>
      tpu.enqueue_dma source(%arg5 : memref<128x32xf32, #tpu.memory_space<hbm>>) target(%dma_start3A_19 : memref<128x32xf32, #tpu.memory_space<vmem_shared>>) target_semaphore(%run_scoped3A : memref<!tpu.dma_semaphore, #tpu.memory_space<semaphore_mem>>)
      %dma_wait3A = arith.constant 0 : i32
      %dma_wait3A_20 = tpu.memref_slice %arg10[%add3A_8, %dma_wait3A] : memref<10240x32xf32, #tpu.memory_space<vmem_shared>> -> memref<128x32xf32, #tpu.memory_space<vmem_shared>>
      tpu.wait_dma2 semaphore(%run_scoped3A : memref<!tpu.dma_semaphore, #tpu.memory_space<semaphore_mem>>) src(%arg5 : memref<128x32xf32, #tpu.memory_space<hbm>>) dst(%dma_wait3A_20 : memref<128x32xf32, #tpu.memory_space<vmem_shared>>)
      tpu.yield
    }) : () -> ()
    %add3A_9 = arith.constant 384 : i32
    %add3A_10 = arith.addi %mul3A_2, %add3A_9 : i32
    "tpu.region"() ({
      %run_scoped3A = tpu.sem_alloc : memref<!tpu.dma_semaphore, #tpu.memory_space<semaphore_mem>>
      %dma_start3A = arith.constant 0 : i32
      %dma_start3A_19 = tpu.memref_slice %arg10[%add3A_10, %dma_start3A] : memref<10240x32xf32, #tpu.memory_space<vmem_shared>> -> memref<128x32xf32, #tpu.memory_space<vmem_shared>>
      tpu.enqueue_dma source(%arg5 : memref<128x32xf32, #tpu.memory_space<hbm>>) target(%dma_start3A_19 : memref<128x32xf32, #tpu.memory_space<vmem_shared>>) target_semaphore(%run_scoped3A : memref<!tpu.dma_semaphore, #tpu.memory_space<semaphore_mem>>)
      %dma_wait3A = arith.constant 0 : i32
      %dma_wait3A_20 = tpu.memref_slice %arg10[%add3A_10, %dma_wait3A] : memref<10240x32xf32, #tpu.memory_space<vmem_shared>> -> memref<128x32xf32, #tpu.memory_space<vmem_shared>>
      tpu.wait_dma2 semaphore(%run_scoped3A : memref<!tpu.dma_semaphore, #tpu.memory_space<semaphore_mem>>) src(%arg5 : memref<128x32xf32, #tpu.memory_space<hbm>>) dst(%dma_wait3A_20 : memref<128x32xf32, #tpu.memory_space<vmem_shared>>)
      tpu.yield
    }) : () -> ()
    %add3A_11 = arith.constant 512 : i32
    %add3A_12 = arith.addi %mul3A_2, %add3A_11 : i32
    "tpu.region"() ({
      %run_scoped3A = tpu.sem_alloc : memref<!tpu.dma_semaphore, #tpu.memory_space<semaphore_mem>>
      %dma_start3A = arith.constant 0 : i32
      %dma_start3A_19 = tpu.memref_slice %arg10[%add3A_12, %dma_start3A] : memref<10240x32xf32, #tpu.memory_space<vmem_shared>> -> memref<128x32xf32, #tpu.memory_space<vmem_shared>>
      tpu.enqueue_dma source(%arg5 : memref<128x32xf32, #tpu.memory_space<hbm>>) target(%dma_start3A_19 : memref<128x32xf32, #tpu.memory_space<vmem_shared>>) target_semaphore(%run_scoped3A : memref<!tpu.dma_semaphore, #tpu.memory_space<semaphore_mem>>)
      %dma_wait3A = arith.constant 0 : i32
      %dma_wait3A_20 = tpu.memref_slice %arg10[%add3A_12, %dma_wait3A] : memref<10240x32xf32, #tpu.memory_space<vmem_shared>> -> memref<128x32xf32, #tpu.memory_space<vmem_shared>>
      tpu.wait_dma2 semaphore(%run_scoped3A : memref<!tpu.dma_semaphore, #tpu.memory_space<semaphore_mem>>) src(%arg5 : memref<128x32xf32, #tpu.memory_space<hbm>>) dst(%dma_wait3A_20 : memref<128x32xf32, #tpu.memory_space<vmem_shared>>)
      tpu.yield
    }) : () -> ()
    "tpu.region"() ({
      %run_scoped3A = tpu.sem_alloc : memref<!tpu.dma_semaphore, #tpu.memory_space<semaphore_mem>>
      %dma_start3A = arith.constant 0 : i32
      %dma_start3A_19 = arith.constant 0 : i32
      %dma_start3A_20 = tpu.memref_slice %arg3[%add3A, %dma_start3A, %dma_start3A_19] : memref<32x40x512xi32, #tpu.memory_space<hbm>> -> memref<1x40x512xi32, #tpu.memory_space<hbm>>
      %dma_start3A_21 = tpu.memref_squeeze %dma_start3A_20 : memref<1x40x512xi32, #tpu.memory_space<hbm>> -> memref<40x512xi32, #tpu.memory_space<hbm>>
      %dma_start3A_22 = arith.constant 0 : i32
      %dma_start3A_23 = arith.constant 0 : i32
      %dma_start3A_24 = tpu.memref_slice %arg3[%add3A, %dma_start3A_22, %dma_start3A_23] : memref<32x40x512xi32, #tpu.memory_space<hbm>> -> memref<1x40x512xi32, #tpu.memory_space<hbm>>
      %dma_start3A_25 = tpu.memref_squeeze %dma_start3A_24 : memref<1x40x512xi32, #tpu.memory_space<hbm>> -> memref<40x512xi32, #tpu.memory_space<hbm>>
      tpu.enqueue_dma source(%dma_start3A_25 : memref<40x512xi32, #tpu.memory_space<hbm>>) target(%arg7 : memref<40x512xi32, #tpu.memory_space<vmem>>) target_semaphore(%run_scoped3A : memref<!tpu.dma_semaphore, #tpu.memory_space<semaphore_mem>>)
      %dma_wait3A = arith.constant 0 : i32
      %dma_wait3A_26 = arith.constant 0 : i32
      %dma_wait3A_27 = tpu.memref_slice %arg3[%add3A, %dma_wait3A, %dma_wait3A_26] : memref<32x40x512xi32, #tpu.memory_space<hbm>> -> memref<1x40x512xi32, #tpu.memory_space<hbm>>
      %dma_wait3A_28 = tpu.memref_squeeze %dma_wait3A_27 : memref<1x40x512xi32, #tpu.memory_space<hbm>> -> memref<40x512xi32, #tpu.memory_space<hbm>>
      %dma_wait3A_29 = arith.constant 0 : i32
      %dma_wait3A_30 = arith.constant 0 : i32
      %dma_wait3A_31 = tpu.memref_slice %arg3[%add3A, %dma_wait3A_29, %dma_wait3A_30] : memref<32x40x512xi32, #tpu.memory_space<hbm>> -> memref<1x40x512xi32, #tpu.memory_space<hbm>>
      %dma_wait3A_32 = tpu.memref_squeeze %dma_wait3A_31 : memref<1x40x512xi32, #tpu.memory_space<hbm>> -> memref<40x512xi32, #tpu.memory_space<hbm>>
      tpu.wait_dma2 semaphore(%run_scoped3A : memref<!tpu.dma_semaphore, #tpu.memory_space<semaphore_mem>>) src(%dma_wait3A_32 : memref<40x512xi32, #tpu.memory_space<hbm>>) dst(%arg7 : memref<40x512xi32, #tpu.memory_space<vmem>>)
      tpu.yield
    }) : () -> ()
    "tpu.region"() ({
      %run_scoped3A = tpu.sem_alloc : memref<!tpu.dma_semaphore, #tpu.memory_space<semaphore_mem>>
      %dma_start3A = arith.constant 0 : i32
      %dma_start3A_19 = arith.constant 0 : i32
      %dma_start3A_20 = tpu.memref_slice %arg4[%arg1, %dma_start3A, %dma_start3A_19] : memref<16x40x512xi32, #tpu.memory_space<hbm>> -> memref<1x40x512xi32, #tpu.memory_space<hbm>>
      %dma_start3A_21 = tpu.memref_squeeze %dma_start3A_20 : memref<1x40x512xi32, #tpu.memory_space<hbm>> -> memref<40x512xi32, #tpu.memory_space<hbm>>
      %dma_start3A_22 = arith.constant 0 : i32
      %dma_start3A_23 = arith.constant 0 : i32
      %dma_start3A_24 = tpu.memref_slice %arg4[%arg1, %dma_start3A_22, %dma_start3A_23] : memref<16x40x512xi32, #tpu.memory_space<hbm>> -> memref<1x40x512xi32, #tpu.memory_space<hbm>>
      %dma_start3A_25 = tpu.memref_squeeze %dma_start3A_24 : memref<1x40x512xi32, #tpu.memory_space<hbm>> -> memref<40x512xi32, #tpu.memory_space<hbm>>
      tpu.enqueue_dma source(%dma_start3A_25 : memref<40x512xi32, #tpu.memory_space<hbm>>) target(%arg8 : memref<40x512xi32, #tpu.memory_space<vmem>>) target_semaphore(%run_scoped3A : memref<!tpu.dma_semaphore, #tpu.memory_space<semaphore_mem>>)
      %dma_wait3A = arith.constant 0 : i32
      %dma_wait3A_26 = arith.constant 0 : i32
      %dma_wait3A_27 = tpu.memref_slice %arg4[%arg1, %dma_wait3A, %dma_wait3A_26] : memref<16x40x512xi32, #tpu.memory_space<hbm>> -> memref<1x40x512xi32, #tpu.memory_space<hbm>>
      %dma_wait3A_28 = tpu.memref_squeeze %dma_wait3A_27 : memref<1x40x512xi32, #tpu.memory_space<hbm>> -> memref<40x512xi32, #tpu.memory_space<hbm>>
      %dma_wait3A_29 = arith.constant 0 : i32
      %dma_wait3A_30 = arith.constant 0 : i32
      %dma_wait3A_31 = tpu.memref_slice %arg4[%arg1, %dma_wait3A_29, %dma_wait3A_30] : memref<16x40x512xi32, #tpu.memory_space<hbm>> -> memref<1x40x512xi32, #tpu.memory_space<hbm>>
      %dma_wait3A_32 = tpu.memref_squeeze %dma_wait3A_31 : memref<1x40x512xi32, #tpu.memory_space<hbm>> -> memref<40x512xi32, #tpu.memory_space<hbm>>
      tpu.wait_dma2 semaphore(%run_scoped3A : memref<!tpu.dma_semaphore, #tpu.memory_space<semaphore_mem>>) src(%dma_wait3A_32 : memref<40x512xi32, #tpu.memory_space<hbm>>) dst(%arg8 : memref<40x512xi32, #tpu.memory_space<vmem>>)
      tpu.yield
    }) : () -> ()
    %barrier3A = arith.constant 0 : index
    tpu.barrier barrier_id(%barrier3A)
    %scan3A = arith.constant 0 : i32
    %scan3A_13 = arith.constant 0 : i32
    %scan3A_14 = arith.constant 40 : i32
    %scan3A_15 = arith.addi %scan3A_13, %scan3A_14 : i32
    %scan3A_16 = arith.constant 1 : i32
    scf.for %scan3A_19 = %scan3A_13 to %scan3A_15 step %scan3A_16  : i32 {
      %dma_start3A = arith.constant 0 : i32
      %dma_start3A_20 = tpu.memref_slice %arg7[%scan3A_19, %dma_start3A] : memref<40x512xi32, #tpu.memory_space<vmem>> -> memref<1x512xi32, #tpu.memory_space<vmem>>
      %dma_start3A_21 = tpu.memref_squeeze %dma_start3A_20 : memref<1x512xi32, #tpu.memory_space<vmem>> -> memref<512xi32, #tpu.memory_space<vmem>>
      %dma_start3A_22 = arith.constant 0 : i32
      %dma_start3A_23 = arith.constant 0 : i32
      %dma_start3A_24 = tpu.memref_slice %arg2[%dma_start3A_22, %dma_start3A_23] : memref<20000x32xf32, #tpu.memory_space<hbm>> -> memref<20000x32xf32, #tpu.memory_space<hbm>>
      tpu.enqueue_indirect_dma source(%dma_start3A_24 : memref<20000x32xf32, #tpu.memory_space<hbm>>) target(%arg9 : memref<512x32xf32, #tpu.memory_space<vmem>>) offsets(%dma_start3A_21 : memref<512xi32, #tpu.memory_space<vmem>>) semaphore(%arg11 : memref<!tpu.dma_semaphore, #tpu.memory_space<semaphore_mem>>)
      %dma_wait3A = arith.constant 0 : i32
      %dma_wait3A_25 = tpu.memref_slice %arg7[%scan3A_19, %dma_wait3A] : memref<40x512xi32, #tpu.memory_space<vmem>> -> memref<1x512xi32, #tpu.memory_space<vmem>>
      %dma_wait3A_26 = tpu.memref_squeeze %dma_wait3A_25 : memref<1x512xi32, #tpu.memory_space<vmem>> -> memref<512xi32, #tpu.memory_space<vmem>>
      %dma_wait3A_27 = arith.constant 0 : i32
      %dma_wait3A_28 = arith.constant 0 : i32
      %dma_wait3A_29 = tpu.memref_slice %arg2[%dma_wait3A_27, %dma_wait3A_28] : memref<20000x32xf32, #tpu.memory_space<hbm>> -> memref<20000x32xf32, #tpu.memory_space<hbm>>
      tpu.wait_indirect_dma semaphore(%arg11 : memref<!tpu.dma_semaphore, #tpu.memory_space<semaphore_mem>>) src(%dma_wait3A_29 : memref<20000x32xf32, #tpu.memory_space<hbm>>) dst(%arg9 : memref<512x32xf32, #tpu.memory_space<vmem>>)
      "tpu.region"() ({
        %run_scoped3A = tpu.sem_alloc : memref<!tpu.dma_semaphore, #tpu.memory_space<semaphore_mem>>
        %dma_start3A_30 = arith.constant 0 : i32
        %dma_start3A_31 = tpu.memref_slice %arg8[%scan3A_19, %dma_start3A_30] : memref<40x512xi32, #tpu.memory_space<vmem>> -> memref<1x512xi32, #tpu.memory_space<vmem>>
        %dma_start3A_32 = tpu.memref_squeeze %dma_start3A_31 : memref<1x512xi32, #tpu.memory_space<vmem>> -> memref<512xi32, #tpu.memory_space<vmem>>
        %dma_start3A_33 = arith.constant 0 : i32
        %dma_start3A_34 = arith.constant 0 : i32
        %dma_start3A_35 = tpu.memref_slice %arg10[%dma_start3A_33, %dma_start3A_34] : memref<10240x32xf32, #tpu.memory_space<vmem_shared>> -> memref<10240x32xf32, #tpu.memory_space<vmem_shared>>
        tpu.enqueue_indirect_dma source(%arg9 : memref<512x32xf32, #tpu.memory_space<vmem>>) target(%dma_start3A_35 : memref<10240x32xf32, #tpu.memory_space<vmem_shared>>) offsets(%dma_start3A_32 : memref<512xi32, #tpu.memory_space<vmem>>) semaphore(%run_scoped3A : memref<!tpu.dma_semaphore, #tpu.memory_space<semaphore_mem>>) {add = true}
        %dma_wait3A_36 = arith.constant 0 : i32
        %dma_wait3A_37 = tpu.memref_slice %arg8[%scan3A_19, %dma_wait3A_36] : memref<40x512xi32, #tpu.memory_space<vmem>> -> memref<1x512xi32, #tpu.memory_space<vmem>>
        %dma_wait3A_38 = tpu.memref_squeeze %dma_wait3A_37 : memref<1x512xi32, #tpu.memory_space<vmem>> -> memref<512xi32, #tpu.memory_space<vmem>>
        %dma_wait3A_39 = arith.constant 0 : i32
        %dma_wait3A_40 = arith.constant 0 : i32
        %dma_wait3A_41 = tpu.memref_slice %arg10[%dma_wait3A_39, %dma_wait3A_40] : memref<10240x32xf32, #tpu.memory_space<vmem_shared>> -> memref<10240x32xf32, #tpu.memory_space<vmem_shared>>
        tpu.wait_indirect_dma semaphore(%run_scoped3A : memref<!tpu.dma_semaphore, #tpu.memory_space<semaphore_mem>>) src(%arg9 : memref<512x32xf32, #tpu.memory_space<vmem>>) dst(%dma_wait3A_41 : memref<10240x32xf32, #tpu.memory_space<vmem_shared>>)
        tpu.yield
      }) : () -> ()
    }
    %scan3A_17 = arith.constant 40 : i32
    %barrier3A_18 = arith.constant 0 : index
    tpu.barrier barrier_id(%barrier3A_18)
    "tpu.region"() ({
      %run_scoped3A = tpu.sem_alloc : memref<!tpu.dma_semaphore, #tpu.memory_space<semaphore_mem>>
      %dma_start3A = arith.constant 0 : i32
      %dma_start3A_19 = tpu.memref_slice %arg6[%arg0, %mul3A_2, %dma_start3A] : memref<2x10240x32xf32, #tpu.memory_space<hbm>> -> memref<1x640x32xf32, #tpu.memory_space<hbm>>
      %dma_start3A_20 = tpu.memref_squeeze %dma_start3A_19 : memref<1x640x32xf32, #tpu.memory_space<hbm>> -> memref<640x32xf32, #tpu.memory_space<hbm>>
      %dma_start3A_21 = arith.constant 0 : i32
      %dma_start3A_22 = tpu.memref_slice %arg10[%mul3A_2, %dma_start3A_21] : memref<10240x32xf32, #tpu.memory_space<vmem_shared>> -> memref<640x32xf32, #tpu.memory_space<vmem_shared>>
      tpu.enqueue_dma source(%dma_start3A_22 : memref<640x32xf32, #tpu.memory_space<vmem_shared>>) target(%dma_start3A_20 : memref<640x32xf32, #tpu.memory_space<hbm>>) target_semaphore(%run_scoped3A : memref<!tpu.dma_semaphore, #tpu.memory_space<semaphore_mem>>)
      %dma_wait3A = arith.constant 0 : i32
      %dma_wait3A_23 = tpu.memref_slice %arg6[%arg0, %mul3A_2, %dma_wait3A] : memref<2x10240x32xf32, #tpu.memory_space<hbm>> -> memref<1x640x32xf32, #tpu.memory_space<hbm>>
      %dma_wait3A_24 = tpu.memref_squeeze %dma_wait3A_23 : memref<1x640x32xf32, #tpu.memory_space<hbm>> -> memref<640x32xf32, #tpu.memory_space<hbm>>
      %dma_wait3A_25 = arith.constant 0 : i32
      %dma_wait3A_26 = tpu.memref_slice %arg10[%mul3A_2, %dma_wait3A_25] : memref<10240x32xf32, #tpu.memory_space<vmem_shared>> -> memref<640x32xf32, #tpu.memory_space<vmem_shared>>
      tpu.wait_dma2 semaphore(%run_scoped3A : memref<!tpu.dma_semaphore, #tpu.memory_space<semaphore_mem>>) src(%dma_wait3A_26 : memref<640x32xf32, #tpu.memory_space<vmem_shared>>) dst(%dma_wait3A_24 : memref<640x32xf32, #tpu.memory_space<hbm>>)
      tpu.yield
    }) : () -> ()
    return
  }
}

module attributes {stable_mosaic.version = 14 : i64} {
  func.func @_matmul2_body(%arg0: i32, %arg1: memref<2000x128xf32, #tpu.memory_space<vmem>>, %arg2: memref<128x64xf32, #tpu.memory_space<vmem>>, %arg3: memref<128x64xf32, #tpu.memory_space<vmem>>, %arg4: memref<2x2000x64xf32, #tpu.memory_space<vmem>>) attributes {dimension_semantics = [#tpu.dimension_semantics<arbitrary>], iteration_bounds = array<i64: 5>, scalar_prefetch = 0 : i64, scratch_operands = 0 : i64, tpu.core_type = #tpu.core_type<tc>, window_params = [{transform_indices = @transform_0, window_bounds = array<i64: 2000, 128>}, {pipeline_mode = #tpu.pipeline_mode<synchronous>, transform_indices = @transform_1, window_bounds = array<i64: 128, 64>}, {pipeline_mode = #tpu.pipeline_mode<synchronous>, transform_indices = @transform_2, window_bounds = array<i64: 128, 64>}, {transform_indices = @transform_3, window_bounds = array<i64: 2, 2000, 64>}]} {
    %get3A = arith.constant 0 : index
    %get3A_0 = arith.constant 0 : index
    %get3A_1 = vector.load %arg1[%get3A, %get3A_0] : memref<2000x128xf32, #tpu.memory_space<vmem>>, vector<2000x128xf32>
    %get3A_2 = arith.constant 0 : index
    %get3A_3 = arith.constant 0 : index
    %get3A_4 = vector.load %arg2[%get3A_2, %get3A_3] : memref<128x64xf32, #tpu.memory_space<vmem>>, vector<128x64xf32>
    %dot_general3A = arith.constant dense<0.000000e+00> : vector<2000x64xf32>
    %dot_general3A_5 = tpu.matmul %get3A_1, %get3A_4, %dot_general3A {dimension_numbers = #tpu.dot_dimension_numbers<[1], [0], [0], [1], [0, 0, 1, 1], [], []>, transpose_lhs_hint = false} : vector<2000x128xf32>, vector<128x64xf32>, vector<2000x64xf32> -> vector<2000x64xf32>
    %swap3A = arith.constant 0 : index
    %swap3A_6 = arith.constant 0 : index
    %swap3A_7 = arith.constant 0 : index
    %swap3A_8 = vector.load %arg4[%swap3A, %swap3A_6, %swap3A_7] : memref<2x2000x64xf32, #tpu.memory_space<vmem>>, vector<1x2000x64xf32>
    %swap3A_9 = vector.shape_cast %swap3A_8 : vector<1x2000x64xf32> to vector<2000x64xf32>
    %swap3A_10 = vector.shape_cast %dot_general3A_5 : vector<2000x64xf32> to vector<1x2000x64xf32>
    tpu.vector_store %arg4[%swap3A, %swap3A_6, %swap3A_7], %swap3A_10 {strides = array<i32>} : memref<2x2000x64xf32, #tpu.memory_space<vmem>>, vector<1x2000x64xf32>,
    %get3A_11 = arith.constant 0 : index
    %get3A_12 = arith.constant 0 : index
    %get3A_13 = vector.load %arg1[%get3A_11, %get3A_12] : memref<2000x128xf32, #tpu.memory_space<vmem>>, vector<2000x128xf32>
    %get3A_14 = arith.constant 0 : index
    %get3A_15 = arith.constant 0 : index
    %get3A_16 = vector.load %arg3[%get3A_14, %get3A_15] : memref<128x64xf32, #tpu.memory_space<vmem>>, vector<128x64xf32>
    %dot_general3A_17 = arith.constant dense<0.000000e+00> : vector<2000x64xf32>
    %dot_general3A_18 = tpu.matmul %get3A_13, %get3A_16, %dot_general3A_17 {dimension_numbers = #tpu.dot_dimension_numbers<[1], [0], [0], [1], [0, 0, 1, 1], [], []>, transpose_lhs_hint = false} : vector<2000x128xf32>, vector<128x64xf32>, vector<2000x64xf32> -> vector<2000x64xf32>
    %swap3A_19 = arith.constant 1 : index
    %swap3A_20 = arith.constant 0 : index
    %swap3A_21 = arith.constant 0 : index
    %swap3A_22 = vector.load %arg4[%swap3A_19, %swap3A_20, %swap3A_21] : memref<2x2000x64xf32, #tpu.memory_space<vmem>>, vector<1x2000x64xf32>
    %swap3A_23 = vector.shape_cast %swap3A_22 : vector<1x2000x64xf32> to vector<2000x64xf32>
    %swap3A_24 = vector.shape_cast %dot_general3A_18 : vector<2000x64xf32> to vector<1x2000x64xf32>
    tpu.vector_store %arg4[%swap3A_19, %swap3A_20, %swap3A_21], %swap3A_24 {strides = array<i32>} : memref<2x2000x64xf32, #tpu.memory_space<vmem>>, vector<1x2000x64xf32>,
    return
  }
  func.func @transform_0(%arg0: i32) -> (i32, i32) {
    %c0_i32 = arith.constant 0 : i32
    %c0_i32_0 = arith.constant 0 : i32
    return %arg0, %c0_i32 : i32, i32
  }
  func.func @transform_1(%arg0: i32) -> (i32, i32) {
    %c0_i32 = arith.constant 0 : i32
    %c0_i32_0 = arith.constant 0 : i32
    %c0_i32_1 = arith.constant 0 : i32
    return %c0_i32, %c0_i32_0 : i32, i32
  }
  func.func @transform_2(%arg0: i32) -> (i32, i32) {
    %c0_i32 = arith.constant 0 : i32
    %c0_i32_0 = arith.constant 0 : i32
    %c0_i32_1 = arith.constant 0 : i32
    return %c0_i32, %c0_i32_0 : i32, i32
  }
  func.func @transform_3(%arg0: i32) -> (i32, i32, i32) {
    %c0_i32 = arith.constant 0 : i32
    %c0_i32_0 = arith.constant 0 : i32
    %c0_i32_1 = arith.constant 0 : i32
    return %c0_i32, %arg0, %c0_i32_0 : i32, i32, i32
  }
}

module attributes {stable_mosaic.version = 14 : i64} {
  func.func @body(%arg0: i32, %arg1: i32, %arg2: memref<2x2000x64xf32, #tpu.memory_space<vmem>>, %arg3: memref<2x2000x64xf32, #tpu.memory_space<vmem>>, %arg4: memref<1xf32, #tpu.memory_space<smem>>, %arg5: memref<1x128xf32, #tpu.memory_space<vmem>>, %arg6: memref<128x128xf32, #tpu.memory_space<vmem>>, %arg7: memref<1x128xf32, #tpu.memory_space<vmem>>, %arg8: memref<1x128xf32, #tpu.memory_space<vmem>>, %arg9: memref<1x128xf32, #tpu.memory_space<vmem>>, %arg10: memref<128x128xf32, #tpu.memory_space<vmem>>, %arg11: memref<1x128xf32, #tpu.memory_space<vmem>>, %arg12: memref<128x128xf32, #tpu.memory_space<vmem>>, %arg13: memref<1x128xf32, #tpu.memory_space<vmem>>, %arg14: memref<1x1x2000xi32, #tpu.memory_space<vmem>>, %arg15: memref<128x32xf32, #tpu.memory_space<vmem>>, %arg16: memref<128x32xf32, #tpu.memory_space<vmem>>, %arg17: memref<128x128xf32, #tpu.memory_space<vmem>>, %arg18: memref<2x2000x32xf32, #tpu.memory_space<vmem>>, %arg19: memref<10000x128xf32, #tpu.memory_space<vmem>>, %arg20: memref<8x128xf32, #tpu.memory_space<vmem>>, %arg21: memref<128x128xf32, #tpu.memory_space<vmem>>) attributes {dimension_semantics = [#tpu.dimension_semantics<arbitrary>, #tpu.dimension_semantics<arbitrary>], iteration_bounds = array<i64: 2, 5>, scalar_prefetch = 0 : i64, scratch_operands = 3 : i64, tpu.core_type = #tpu.core_type<tc>, window_params = [{transform_indices = @transform_0, window_bounds = array<i64: 2, 2000, 64>}, {transform_indices = @transform_1, window_bounds = array<i64: 2, 2000, 64>}, {transform_indices = @transform_2, window_bounds = array<i64: 1>}, {pipeline_mode = #tpu.pipeline_mode<synchronous>, transform_indices = @transform_3, window_bounds = array<i64: 1, 128>}, {pipeline_mode = #tpu.pipeline_mode<synchronous>, transform_indices = @transform_4, window_bounds = array<i64: 128, 128>}, {pipeline_mode = #tpu.pipeline_mode<synchronous>, transform_indices = @transform_5, window_bounds = array<i64: 1, 128>}, {pipeline_mode = #tpu.pipeline_mode<synchronous>, transform_indices = @transform_6, window_bounds = array<i64: 1, 128>}, {pipeline_mode = #tpu.pipeline_mode<synchronous>, transform_indices = @transform_7, window_bounds = array<i64: 1, 128>}, {pipeline_mode = #tpu.pipeline_mode<synchronous>, transform_indices = @transform_8, window_bounds = array<i64: 128, 128>}, {pipeline_mode = #tpu.pipeline_mode<synchronous>, transform_indices = @transform_9, window_bounds = array<i64: 1, 128>}, {pipeline_mode = #tpu.pipeline_mode<synchronous>, transform_indices = @transform_10, window_bounds = array<i64: 128, 128>}, {pipeline_mode = #tpu.pipeline_mode<synchronous>, transform_indices = @transform_11, window_bounds = array<i64: 1, 128>}, {transform_indices = @transform_12, window_bounds = array<i64: 1, 1, 2000>}, {pipeline_mode = #tpu.pipeline_mode<synchronous>, transform_indices = @transform_13, window_bounds = array<i64: 128, 32>}, {pipeline_mode = #tpu.pipeline_mode<synchronous>, transform_indices = @transform_14, window_bounds = array<i64: 128, 32>}, {pipeline_mode = #tpu.pipeline_mode<synchronous>, transform_indices = @transform_15, window_bounds = array<i64: 128, 128>}, {transform_indices = @transform_16, window_bounds = array<i64: 2, 2000, 32>}]} {
    %eq3A = arith.constant 0 : i32
    %eq3A_0 = arith.cmpi eq, %arg0, %eq3A : i32
    %convert_element_type3A = arith.extui %eq3A_0 : i1 to i32
    %cond3A = arith.constant 0 : i32
    %cond3A_1 = arith.cmpi ne, %convert_element_type3A, %cond3A : i32
    scf.if %cond3A_1 {
      %get3A = arith.constant 0 : index
      %get3A_7 = arith.constant 0 : index
      %get3A_8 = arith.constant 0 : index
      %get3A_9 = vector.load %arg2[%get3A, %get3A_7, %get3A_8] : memref<2x2000x64xf32, #tpu.memory_space<vmem>>, vector<1x2000x64xf32>
      %get3A_10 = vector.shape_cast %get3A_9 : vector<1x2000x64xf32> to vector<2000x64xf32>
      %get3A_11 = arith.constant 1 : index
      %get3A_12 = arith.constant 0 : index
      %get3A_13 = arith.constant 0 : index
      %get3A_14 = vector.load %arg2[%get3A_11, %get3A_12, %get3A_13] : memref<2x2000x64xf32, #tpu.memory_space<vmem>>, vector<1x2000x64xf32>
      %get3A_15 = vector.shape_cast %get3A_14 : vector<1x2000x64xf32> to vector<2000x64xf32>
      %concatenate3A = tpu.concatenate %get3A_10, %get3A_15 in 1 : vector<2000x64xf32>, vector<2000x64xf32> -> vector<2000x128xf32>
      %get3A_16 = arith.constant 0 : index
      %get3A_17 = arith.constant 0 : index
      %get3A_18 = arith.constant 0 : index
      %get3A_19 = vector.load %arg3[%get3A_16, %get3A_17, %get3A_18] : memref<2x2000x64xf32, #tpu.memory_space<vmem>>, vector<1x2000x64xf32>
      %get3A_20 = vector.shape_cast %get3A_19 : vector<1x2000x64xf32> to vector<2000x64xf32>
      %get3A_21 = arith.constant 1 : index
      %get3A_22 = arith.constant 0 : index
      %get3A_23 = arith.constant 0 : index
      %get3A_24 = vector.load %arg3[%get3A_21, %get3A_22, %get3A_23] : memref<2x2000x64xf32, #tpu.memory_space<vmem>>, vector<1x2000x64xf32>
      %get3A_25 = vector.shape_cast %get3A_24 : vector<1x2000x64xf32> to vector<2000x64xf32>
      %concatenate3A_26 = tpu.concatenate %get3A_20, %get3A_25 in 1 : vector<2000x64xf32>, vector<2000x64xf32> -> vector<2000x128xf32>
      %get3A_27 = arith.constant 0 : index
      %get3A_28 = memref.load %arg4[%get3A_27] : memref<1xf32, #tpu.memory_space<smem>>
      %add3A = arith.constant 1.000000e+00 : f32
      %add3A_29 = arith.addf %add3A, %get3A_28 : f32
      %mul3A = vector.broadcast %add3A_29 : f32 to vector<2000x128xf32>
      %mul3A_30 = arith.mulf %concatenate3A, %mul3A : vector<2000x128xf32>
      %add3A_31 = arith.addf %mul3A_30, %concatenate3A_26 : vector<2000x128xf32>
      %get3A_32 = arith.constant 0 : index
      %get3A_33 = arith.constant 0 : index
      %get3A_34 = vector.load %arg5[%get3A_32, %get3A_33] : memref<1x128xf32, #tpu.memory_space<vmem>>, vector<1x128xf32>
      %add3A_35 = vector.broadcast %get3A_34 : vector<1x128xf32> to vector<2000x128xf32>
      %add3A_36 = arith.addf %add3A_31, %add3A_35 : vector<2000x128xf32>
      %max3A = arith.constant 0.000000e+00 : f32
      %max3A_37 = vector.broadcast %max3A : f32 to vector<2000x128xf32>
      %max3A_38 = arith.maximumf %add3A_36, %max3A_37 : vector<2000x128xf32>
      %get3A_39 = arith.constant 0 : index
      %get3A_40 = arith.constant 0 : index
      %get3A_41 = vector.load %arg6[%get3A_39, %get3A_40] : memref<128x128xf32, #tpu.memory_space<vmem>>, vector<128x128xf32>
      %dot_general3A = arith.constant dense<0.000000e+00> : vector<2000x128xf32>
      %dot_general3A_42 = tpu.matmul %max3A_38, %get3A_41, %dot_general3A {dimension_numbers = #tpu.dot_dimension_numbers<[1], [0], [0], [1], [0, 0, 1, 1], [], []>, transpose_lhs_hint = false} : vector<2000x128xf32>, vector<128x128xf32>, vector<2000x128xf32> -> vector<2000x128xf32>
      %get3A_43 = arith.constant 0 : index
      %get3A_44 = arith.constant 0 : index
      %get3A_45 = vector.load %arg7[%get3A_43, %get3A_44] : memref<1x128xf32, #tpu.memory_space<vmem>>, vector<1x128xf32>
      %add3A_46 = vector.broadcast %get3A_45 : vector<1x128xf32> to vector<2000x128xf32>
      %add3A_47 = arith.addf %dot_general3A_42, %add3A_46 : vector<2000x128xf32>
      %mul3A_48 = arith.constant 2000 : i32
      %mul3A_49 = arith.muli %arg1, %mul3A_48 : i32
      %swap3A = arith.index_cast %mul3A_49 : i32 to index
      %swap3A_50 = arith.constant 0 : index
      %swap3A_51 = vector.load %arg19[%swap3A, %swap3A_50] : memref<10000x128xf32, #tpu.memory_space<vmem>>, vector<2000x128xf32>
      tpu.vector_store %arg19[%swap3A, %swap3A_50], %add3A_47 {strides = array<i32>} : memref<10000x128xf32, #tpu.memory_space<vmem>>, vector<2000x128xf32>,
      %eq3A_52 = arith.constant 0 : i32
      %eq3A_53 = arith.cmpi eq, %arg1, %eq3A_52 : i32
      %convert_element_type3A_54 = arith.extui %eq3A_53 : i1 to i32
      %cond3A_55 = arith.constant 0 : i32
      %cond3A_56 = arith.cmpi ne, %convert_element_type3A_54, %cond3A_55 : i32
      scf.if %cond3A_56 {
        %broadcast_in_dim3A_76 = arith.constant 0.000000e+00 : f32
        %broadcast_in_dim3A_77 = vector.broadcast %broadcast_in_dim3A_76 : f32 to vector<8x128xf32>
        %swap3A_78 = arith.constant 0 : index
        %swap3A_79 = arith.constant 0 : index
        %swap3A_80 = vector.load %arg20[%swap3A_78, %swap3A_79] : memref<8x128xf32, #tpu.memory_space<vmem>>, vector<8x128xf32>
        tpu.vector_store %arg20[%swap3A_78, %swap3A_79], %broadcast_in_dim3A_77 {strides = array<i32>} : memref<8x128xf32, #tpu.memory_space<vmem>>, vector<8x128xf32>,
      } else {
      }
      %get3A_57 = arith.constant 0 : index
      %get3A_58 = arith.constant 0 : index
      %get3A_59 = vector.load %arg20[%get3A_57, %get3A_58] : memref<8x128xf32, #tpu.memory_space<vmem>>, vector<1x128xf32>
      %reduce_sum3A = arith.constant dense<0.000000e+00> : vector<128xf32>
      %reduce_sum3A_60 = vector.multi_reduction <add>, %add3A_47, %reduce_sum3A [0] : vector<2000x128xf32> to vector<128xf32>
      %broadcast_in_dim3A = vector.shape_cast %reduce_sum3A_60 : vector<128xf32> to vector<1x128xf32>
      %add3A_61 = arith.addf %get3A_59, %broadcast_in_dim3A : vector<1x128xf32>
      %swap3A_62 = arith.constant 0 : index
      %swap3A_63 = arith.constant 0 : index
      %swap3A_64 = vector.load %arg20[%swap3A_62, %swap3A_63] : memref<8x128xf32, #tpu.memory_space<vmem>>, vector<1x128xf32>
      tpu.vector_store %arg20[%swap3A_62, %swap3A_63], %add3A_61 {strides = array<i32>} : memref<8x128xf32, #tpu.memory_space<vmem>>, vector<1x128xf32>,
      %get3A_65 = arith.constant 1 : index
      %get3A_66 = arith.constant 0 : index
      %get3A_67 = vector.load %arg20[%get3A_65, %get3A_66] : memref<8x128xf32, #tpu.memory_space<vmem>>, vector<1x128xf32>
      %mul3A_68 = arith.mulf %add3A_47, %add3A_47 : vector<2000x128xf32>
      %reduce_sum3A_69 = arith.constant dense<0.000000e+00> : vector<128xf32>
      %reduce_sum3A_70 = vector.multi_reduction <add>, %mul3A_68, %reduce_sum3A_69 [0] : vector<2000x128xf32> to vector<128xf32>
      %broadcast_in_dim3A_71 = vector.shape_cast %reduce_sum3A_70 : vector<128xf32> to vector<1x128xf32>
      %add3A_72 = arith.addf %get3A_67, %broadcast_in_dim3A_71 : vector<1x128xf32>
      %swap3A_73 = arith.constant 1 : index
      %swap3A_74 = arith.constant 0 : index
      %swap3A_75 = vector.load %arg20[%swap3A_73, %swap3A_74] : memref<8x128xf32, #tpu.memory_space<vmem>>, vector<1x128xf32>
      tpu.vector_store %arg20[%swap3A_73, %swap3A_74], %add3A_72 {strides = array<i32>} : memref<8x128xf32, #tpu.memory_space<vmem>>, vector<1x128xf32>,
    } else {
    }
    %eq3A_2 = arith.constant 1 : i32
    %eq3A_3 = arith.cmpi eq, %arg0, %eq3A_2 : i32
    %convert_element_type3A_4 = arith.extui %eq3A_3 : i1 to i32
    %cond3A_5 = arith.constant 0 : i32
    %cond3A_6 = arith.cmpi ne, %convert_element_type3A_4, %cond3A_5 : i32
    scf.if %cond3A_6 {
      %get3A = arith.constant 0 : index
      %get3A_7 = arith.constant 0 : index
      %get3A_8 = vector.load %arg20[%get3A, %get3A_7] : memref<8x128xf32, #tpu.memory_space<vmem>>, vector<1x128xf32>
      %mul3A = arith.constant 9.99999974E-5 : f32
      %mul3A_9 = vector.broadcast %mul3A : f32 to vector<1x128xf32>
      %mul3A_10 = arith.mulf %get3A_8, %mul3A_9 : vector<1x128xf32>
      %get3A_11 = arith.constant 1 : index
      %get3A_12 = arith.constant 0 : index
      %get3A_13 = vector.load %arg20[%get3A_11, %get3A_12] : memref<8x128xf32, #tpu.memory_space<vmem>>, vector<1x128xf32>
      %mul3A_14 = arith.constant 9.99999974E-5 : f32
      %mul3A_15 = vector.broadcast %mul3A_14 : f32 to vector<1x128xf32>
      %mul3A_16 = arith.mulf %get3A_13, %mul3A_15 : vector<1x128xf32>
      %mul3A_17 = arith.mulf %mul3A_10, %mul3A_10 : vector<1x128xf32>
      %sub3A = arith.subf %mul3A_16, %mul3A_17 : vector<1x128xf32>
      %add3A = arith.constant 9.99999974E-6 : f32
      %add3A_18 = vector.broadcast %add3A : f32 to vector<1x128xf32>
      %add3A_19 = arith.addf %sub3A, %add3A_18 : vector<1x128xf32>
      %rsqrt3A = math.rsqrt %add3A_19 : vector<1x128xf32>
      %mul3A_20 = arith.constant 2000 : i32
      %mul3A_21 = arith.muli %arg1, %mul3A_20 : i32
      %get3A_22 = arith.index_cast %mul3A_21 : i32 to index
      %get3A_23 = arith.constant 0 : index
      %get3A_24 = vector.load %arg19[%get3A_22, %get3A_23] : memref<10000x128xf32, #tpu.memory_space<vmem>>, vector<2000x128xf32>
      %sub3A_25 = vector.broadcast %mul3A_10 : vector<1x128xf32> to vector<2000x128xf32>
      %sub3A_26 = arith.subf %get3A_24, %sub3A_25 : vector<2000x128xf32>
      %mul3A_27 = vector.broadcast %rsqrt3A : vector<1x128xf32> to vector<2000x128xf32>
      %mul3A_28 = arith.mulf %sub3A_26, %mul3A_27 : vector<2000x128xf32>
      %get3A_29 = arith.constant 0 : index
      %get3A_30 = arith.constant 0 : index
      %get3A_31 = vector.load %arg8[%get3A_29, %get3A_30] : memref<1x128xf32, #tpu.memory_space<vmem>>, vector<1x128xf32>
      %mul3A_32 = vector.broadcast %get3A_31 : vector<1x128xf32> to vector<2000x128xf32>
      %mul3A_33 = arith.mulf %mul3A_28, %mul3A_32 : vector<2000x128xf32>
      %get3A_34 = arith.constant 0 : index
      %get3A_35 = arith.constant 0 : index
      %get3A_36 = vector.load %arg9[%get3A_34, %get3A_35] : memref<1x128xf32, #tpu.memory_space<vmem>>, vector<1x128xf32>
      %add3A_37 = vector.broadcast %get3A_36 : vector<1x128xf32> to vector<2000x128xf32>
      %add3A_38 = arith.addf %mul3A_33, %add3A_37 : vector<2000x128xf32>
      %max3A = arith.constant 0.000000e+00 : f32
      %max3A_39 = vector.broadcast %max3A : f32 to vector<2000x128xf32>
      %max3A_40 = arith.maximumf %add3A_38, %max3A_39 : vector<2000x128xf32>
      %get3A_41 = arith.constant 0 : index
      %get3A_42 = arith.constant 0 : index
      %get3A_43 = vector.load %arg15[%get3A_41, %get3A_42] : memref<128x32xf32, #tpu.memory_space<vmem>>, vector<128x32xf32>
      %dot_general3A = arith.constant dense<0.000000e+00> : vector<2000x32xf32>
      %dot_general3A_44 = tpu.matmul %max3A_40, %get3A_43, %dot_general3A {dimension_numbers = #tpu.dot_dimension_numbers<[1], [0], [0], [1], [0, 0, 1, 1], [], []>, transpose_lhs_hint = false} : vector<2000x128xf32>, vector<128x32xf32>, vector<2000x32xf32> -> vector<2000x32xf32>
      %swap3A = arith.constant 0 : index
      %swap3A_45 = arith.constant 0 : index
      %swap3A_46 = arith.constant 0 : index
      %swap3A_47 = vector.load %arg18[%swap3A, %swap3A_45, %swap3A_46] : memref<2x2000x32xf32, #tpu.memory_space<vmem>>, vector<1x2000x32xf32>
      %swap3A_48 = vector.shape_cast %swap3A_47 : vector<1x2000x32xf32> to vector<2000x32xf32>
      %swap3A_49 = vector.shape_cast %dot_general3A_44 : vector<2000x32xf32> to vector<1x2000x32xf32>
      tpu.vector_store %arg18[%swap3A, %swap3A_45, %swap3A_46], %swap3A_49 {strides = array<i32>} : memref<2x2000x32xf32, #tpu.memory_space<vmem>>, vector<1x2000x32xf32>,
      %get3A_50 = arith.constant 0 : index
      %get3A_51 = arith.constant 0 : index
      %get3A_52 = vector.load %arg16[%get3A_50, %get3A_51] : memref<128x32xf32, #tpu.memory_space<vmem>>, vector<128x32xf32>
      %dot_general3A_53 = arith.constant dense<0.000000e+00> : vector<2000x32xf32>
      %dot_general3A_54 = tpu.matmul %max3A_40, %get3A_52, %dot_general3A_53 {dimension_numbers = #tpu.dot_dimension_numbers<[1], [0], [0], [1], [0, 0, 1, 1], [], []>, transpose_lhs_hint = false} : vector<2000x128xf32>, vector<128x32xf32>, vector<2000x32xf32> -> vector<2000x32xf32>
      %swap3A_55 = arith.constant 1 : index
      %swap3A_56 = arith.constant 0 : index
      %swap3A_57 = arith.constant 0 : index
      %swap3A_58 = vector.load %arg18[%swap3A_55, %swap3A_56, %swap3A_57] : memref<2x2000x32xf32, #tpu.memory_space<vmem>>, vector<1x2000x32xf32>
      %swap3A_59 = vector.shape_cast %swap3A_58 : vector<1x2000x32xf32> to vector<2000x32xf32>
      %swap3A_60 = vector.shape_cast %dot_general3A_54 : vector<2000x32xf32> to vector<1x2000x32xf32>
      tpu.vector_store %arg18[%swap3A_55, %swap3A_56, %swap3A_57], %swap3A_60 {strides = array<i32>} : memref<2x2000x32xf32, #tpu.memory_space<vmem>>, vector<1x2000x32xf32>,
      %get3A_61 = arith.constant 0 : index
      %get3A_62 = arith.constant 0 : index
      %get3A_63 = vector.load %arg10[%get3A_61, %get3A_62] : memref<128x128xf32, #tpu.memory_space<vmem>>, vector<128x128xf32>
      %dot_general3A_64 = arith.constant dense<0.000000e+00> : vector<2000x128xf32>
      %dot_general3A_65 = tpu.matmul %max3A_40, %get3A_63, %dot_general3A_64 {dimension_numbers = #tpu.dot_dimension_numbers<[1], [0], [0], [1], [0, 0, 1, 1], [], []>, transpose_lhs_hint = false} : vector<2000x128xf32>, vector<128x128xf32>, vector<2000x128xf32> -> vector<2000x128xf32>
      %get3A_66 = arith.constant 0 : index
      %get3A_67 = arith.constant 0 : index
      %get3A_68 = vector.load %arg11[%get3A_66, %get3A_67] : memref<1x128xf32, #tpu.memory_space<vmem>>, vector<1x128xf32>
      %add3A_69 = vector.broadcast %get3A_68 : vector<1x128xf32> to vector<2000x128xf32>
      %add3A_70 = arith.addf %dot_general3A_65, %add3A_69 : vector<2000x128xf32>
      %max3A_71 = arith.constant 0.000000e+00 : f32
      %max3A_72 = vector.broadcast %max3A_71 : f32 to vector<2000x128xf32>
      %max3A_73 = arith.maximumf %add3A_70, %max3A_72 : vector<2000x128xf32>
      %get3A_74 = arith.constant 0 : index
      %get3A_75 = arith.constant 0 : index
      %get3A_76 = arith.constant 0 : index
      %get3A_77 = vector.load %arg14[%get3A_74, %get3A_75, %get3A_76] : memref<1x1x2000xi32, #tpu.memory_space<vmem>>, vector<1x1x2000xi32>
      %get3A_78 = vector.shape_cast %get3A_77 : vector<1x1x2000xi32> to vector<2000xi32>
      %iota3A = tpu.iota {dimensions = array<i32: 0>} : vector<128x2000xi32>
      %broadcast_in_dim3A = vector.shape_cast %get3A_78 : vector<2000xi32> to vector<1x2000xi32>
      %eq3A_79 = vector.broadcast %broadcast_in_dim3A : vector<1x2000xi32> to vector<128x2000xi32>
      %eq3A_80 = arith.cmpi eq, %iota3A, %eq3A_79 : vector<128x2000xi32>
      %convert_element_type3A_81 = arith.extui %eq3A_80 : vector<128x2000xi1> to vector<128x2000xi32>
      %convert_element_type3A_82 = arith.sitofp %convert_element_type3A_81 : vector<128x2000xi32> to vector<128x2000xf32>
      %eq3A_83 = arith.constant 0 : i32
      %eq3A_84 = arith.cmpi eq, %arg1, %eq3A_83 : i32
      %convert_element_type3A_85 = arith.extui %eq3A_84 : i1 to i32
      %cond3A_86 = arith.constant 0 : i32
      %cond3A_87 = arith.cmpi ne, %convert_element_type3A_85, %cond3A_86 : i32
      scf.if %cond3A_87 {
        %broadcast_in_dim3A_102 = arith.constant 0.000000e+00 : f32
        %broadcast_in_dim3A_103 = vector.broadcast %broadcast_in_dim3A_102 : f32 to vector<128x128xf32>
        %swap3A_104 = arith.constant 0 : index
        %swap3A_105 = arith.constant 0 : index
        %swap3A_106 = vector.load %arg21[%swap3A_104, %swap3A_105] : memref<128x128xf32, #tpu.memory_space<vmem>>, vector<128x128xf32>
        tpu.vector_store %arg21[%swap3A_104, %swap3A_105], %broadcast_in_dim3A_103 {strides = array<i32>} : memref<128x128xf32, #tpu.memory_space<vmem>>, vector<128x128xf32>,
      } else {
      }
      %get3A_88 = arith.constant 0 : index
      %get3A_89 = arith.constant 0 : index
      %get3A_90 = vector.load %arg21[%get3A_88, %get3A_89] : memref<128x128xf32, #tpu.memory_space<vmem>>, vector<128x128xf32>
      %dot_general3A_91 = arith.constant dense<0.000000e+00> : vector<128x128xf32>
      %dot_general3A_92 = tpu.matmul %convert_element_type3A_82, %max3A_73, %dot_general3A_91 {dimension_numbers = #tpu.dot_dimension_numbers<[1], [0], [0], [1], [0, 0, 1, 1], [], []>, transpose_lhs_hint = false} : vector<128x2000xf32>, vector<2000x128xf32>, vector<128x128xf32> -> vector<128x128xf32>
      %add3A_93 = arith.addf %get3A_90, %dot_general3A_92 : vector<128x128xf32>
      %swap3A_94 = arith.constant 0 : index
      %swap3A_95 = arith.constant 0 : index
      %swap3A_96 = vector.load %arg21[%swap3A_94, %swap3A_95] : memref<128x128xf32, #tpu.memory_space<vmem>>, vector<128x128xf32>
      tpu.vector_store %arg21[%swap3A_94, %swap3A_95], %add3A_93 {strides = array<i32>} : memref<128x128xf32, #tpu.memory_space<vmem>>, vector<128x128xf32>,
      %eq3A_97 = arith.constant 4 : i32
      %eq3A_98 = arith.cmpi eq, %arg1, %eq3A_97 : i32
      %convert_element_type3A_99 = arith.extui %eq3A_98 : i1 to i32
      %cond3A_100 = arith.constant 0 : i32
      %cond3A_101 = arith.cmpi ne, %convert_element_type3A_99, %cond3A_100 : i32
      scf.if %cond3A_101 {
        %get3A_102 = arith.constant 0 : index
        %get3A_103 = arith.constant 0 : index
        %get3A_104 = vector.load %arg21[%get3A_102, %get3A_103] : memref<128x128xf32, #tpu.memory_space<vmem>>, vector<128x128xf32>
        %get3A_105 = arith.constant 0 : index
        %get3A_106 = arith.constant 0 : index
        %get3A_107 = vector.load %arg12[%get3A_105, %get3A_106] : memref<128x128xf32, #tpu.memory_space<vmem>>, vector<128x128xf32>
        %dot_general3A_108 = arith.constant dense<0.000000e+00> : vector<128x128xf32>
        %dot_general3A_109 = tpu.matmul %get3A_104, %get3A_107, %dot_general3A_108 {dimension_numbers = #tpu.dot_dimension_numbers<[1], [0], [0], [1], [0, 0, 1, 1], [], []>, transpose_lhs_hint = false} : vector<128x128xf32>, vector<128x128xf32>, vector<128x128xf32> -> vector<128x128xf32>
        %get3A_110 = arith.constant 0 : index
        %get3A_111 = arith.constant 0 : index
        %get3A_112 = vector.load %arg13[%get3A_110, %get3A_111] : memref<1x128xf32, #tpu.memory_space<vmem>>, vector<1x128xf32>
        %add3A_113 = vector.broadcast %get3A_112 : vector<1x128xf32> to vector<128x128xf32>
        %add3A_114 = arith.addf %dot_general3A_109, %add3A_113 : vector<128x128xf32>
        %max3A_115 = arith.constant 0.000000e+00 : f32
        %max3A_116 = vector.broadcast %max3A_115 : f32 to vector<128x128xf32>
        %max3A_117 = arith.maximumf %add3A_114, %max3A_116 : vector<128x128xf32>
        %swap3A_118 = arith.constant 0 : index
        %swap3A_119 = arith.constant 0 : index
        %swap3A_120 = vector.load %arg17[%swap3A_118, %swap3A_119] : memref<128x128xf32, #tpu.memory_space<vmem>>, vector<128x128xf32>
        tpu.vector_store %arg17[%swap3A_118, %swap3A_119], %max3A_117 {strides = array<i32>} : memref<128x128xf32, #tpu.memory_space<vmem>>, vector<128x128xf32>,
      } else {
      }
    } else {
    }
    return
  }
  func.func @transform_0(%arg0: i32, %arg1: i32) -> (i32, i32, i32) {
    %eq3A = arith.constant 0 : i32
    %eq3A_0 = arith.cmpi eq, %arg0, %eq3A : i32
    %jit3A = arith.constant 0 : i32
    %select_n3A = arith.select %eq3A_0, %arg1, %jit3A : i32
    %c0_i32 = arith.constant 0 : i32
    %c0_i32_1 = arith.constant 0 : i32
    %c0_i32_2 = arith.constant 0 : i32
    return %c0_i32, %select_n3A, %c0_i32_1 : i32, i32, i32
  }
  func.func @transform_1(%arg0: i32, %arg1: i32) -> (i32, i32, i32) {
    %eq3A = arith.constant 0 : i32
    %eq3A_0 = arith.cmpi eq, %arg0, %eq3A : i32
    %jit3A = arith.constant 0 : i32
    %select_n3A = arith.select %eq3A_0, %arg1, %jit3A : i32
    %c0_i32 = arith.constant 0 : i32
    %c0_i32_1 = arith.constant 0 : i32
    %c0_i32_2 = arith.constant 0 : i32
    return %c0_i32, %select_n3A, %c0_i32_1 : i32, i32, i32
  }
  func.func @transform_2(%arg0: i32, %arg1: i32) -> i32 {
    %c0_i32 = arith.constant 0 : i32
    %c0_i32_0 = arith.constant 0 : i32
    return %c0_i32 : i32
  }
  func.func @transform_3(%arg0: i32, %arg1: i32) -> (i32, i32) {
    %c0_i32 = arith.constant 0 : i32
    %c0_i32_0 = arith.constant 0 : i32
    %c0_i32_1 = arith.constant 0 : i32
    return %c0_i32, %c0_i32_0 : i32, i32
  }
  func.func @transform_4(%arg0: i32, %arg1: i32) -> (i32, i32) {
    %c0_i32 = arith.constant 0 : i32
    %c0_i32_0 = arith.constant 0 : i32
    %c0_i32_1 = arith.constant 0 : i32
    return %c0_i32, %c0_i32_0 : i32, i32
  }
  func.func @transform_5(%arg0: i32, %arg1: i32) -> (i32, i32) {
    %c0_i32 = arith.constant 0 : i32
    %c0_i32_0 = arith.constant 0 : i32
    %c0_i32_1 = arith.constant 0 : i32
    return %c0_i32, %c0_i32_0 : i32, i32
  }
  func.func @transform_6(%arg0: i32, %arg1: i32) -> (i32, i32) {
    %c0_i32 = arith.constant 0 : i32
    %c0_i32_0 = arith.constant 0 : i32
    %c0_i32_1 = arith.constant 0 : i32
    return %c0_i32, %c0_i32_0 : i32, i32
  }
  func.func @transform_7(%arg0: i32, %arg1: i32) -> (i32, i32) {
    %c0_i32 = arith.constant 0 : i32
    %c0_i32_0 = arith.constant 0 : i32
    %c0_i32_1 = arith.constant 0 : i32
    return %c0_i32, %c0_i32_0 : i32, i32
  }
  func.func @transform_8(%arg0: i32, %arg1: i32) -> (i32, i32) {
    %c0_i32 = arith.constant 0 : i32
    %c0_i32_0 = arith.constant 0 : i32
    %c0_i32_1 = arith.constant 0 : i32
    return %c0_i32, %c0_i32_0 : i32, i32
  }
  func.func @transform_9(%arg0: i32, %arg1: i32) -> (i32, i32) {
    %c0_i32 = arith.constant 0 : i32
    %c0_i32_0 = arith.constant 0 : i32
    %c0_i32_1 = arith.constant 0 : i32
    return %c0_i32, %c0_i32_0 : i32, i32
  }
  func.func @transform_10(%arg0: i32, %arg1: i32) -> (i32, i32) {
    %c0_i32 = arith.constant 0 : i32
    %c0_i32_0 = arith.constant 0 : i32
    %c0_i32_1 = arith.constant 0 : i32
    return %c0_i32, %c0_i32_0 : i32, i32
  }
  func.func @transform_11(%arg0: i32, %arg1: i32) -> (i32, i32) {
    %c0_i32 = arith.constant 0 : i32
    %c0_i32_0 = arith.constant 0 : i32
    %c0_i32_1 = arith.constant 0 : i32
    return %c0_i32, %c0_i32_0 : i32, i32
  }
  func.func @transform_12(%arg0: i32, %arg1: i32) -> (i32, i32, i32) {
    %eq3A = arith.constant 1 : i32
    %eq3A_0 = arith.cmpi eq, %arg0, %eq3A : i32
    %jit3A = arith.constant 0 : i32
    %select_n3A = arith.select %eq3A_0, %arg1, %jit3A : i32
    %c0_i32 = arith.constant 0 : i32
    %c0_i32_1 = arith.constant 0 : i32
    %c0_i32_2 = arith.constant 0 : i32
    return %select_n3A, %c0_i32, %c0_i32_1 : i32, i32, i32
  }
  func.func @transform_13(%arg0: i32, %arg1: i32) -> (i32, i32) {
    %c0_i32 = arith.constant 0 : i32
    %c0_i32_0 = arith.constant 0 : i32
    %c0_i32_1 = arith.constant 0 : i32
    return %c0_i32, %c0_i32_0 : i32, i32
  }
  func.func @transform_14(%arg0: i32, %arg1: i32) -> (i32, i32) {
    %c0_i32 = arith.constant 0 : i32
    %c0_i32_0 = arith.constant 0 : i32
    %c0_i32_1 = arith.constant 0 : i32
    return %c0_i32, %c0_i32_0 : i32, i32
  }
  func.func @transform_15(%arg0: i32, %arg1: i32) -> (i32, i32) {
    %c0_i32 = arith.constant 0 : i32
    %c0_i32_0 = arith.constant 0 : i32
    %c0_i32_1 = arith.constant 0 : i32
    return %c0_i32, %c0_i32_0 : i32, i32
  }
  func.func @transform_16(%arg0: i32, %arg1: i32) -> (i32, i32, i32) {
    %eq3A = arith.constant 1 : i32
    %eq3A_0 = arith.cmpi eq, %arg0, %eq3A : i32
    %jit3A = arith.constant 0 : i32
    %select_n3A = arith.select %eq3A_0, %arg1, %jit3A : i32
    %c0_i32 = arith.constant 0 : i32
    %c0_i32_1 = arith.constant 0 : i32
    %c0_i32_2 = arith.constant 0 : i32
    return %c0_i32, %select_n3A, %c0_i32_1 : i32, i32, i32
  }
}

module attributes {stable_mosaic.version = 14 : i64} {
  func.func @body(%arg0: i32, %arg1: i32, %arg2: memref<2x2000x32xf32, #tpu.memory_space<vmem>>, %arg3: memref<2x2000x32xf32, #tpu.memory_space<vmem>>, %arg4: memref<1xf32, #tpu.memory_space<smem>>, %arg5: memref<1x64xf32, #tpu.memory_space<vmem>>, %arg6: memref<64x64xf32, #tpu.memory_space<vmem>>, %arg7: memref<1x64xf32, #tpu.memory_space<vmem>>, %arg8: memref<1x64xf32, #tpu.memory_space<vmem>>, %arg9: memref<1x64xf32, #tpu.memory_space<vmem>>, %arg10: memref<64x64xf32, #tpu.memory_space<vmem>>, %arg11: memref<1x64xf32, #tpu.memory_space<vmem>>, %arg12: memref<64x64xf32, #tpu.memory_space<vmem>>, %arg13: memref<1x64xf32, #tpu.memory_space<vmem>>, %arg14: memref<1x1x2000xi32, #tpu.memory_space<vmem>>, %arg15: memref<64x16xf32, #tpu.memory_space<vmem>>, %arg16: memref<64x16xf32, #tpu.memory_space<vmem>>, %arg17: memref<128x64xf32, #tpu.memory_space<vmem>>, %arg18: memref<2x2000x16xf32, #tpu.memory_space<vmem>>, %arg19: memref<10000x64xf32, #tpu.memory_space<vmem>>, %arg20: memref<8x64xf32, #tpu.memory_space<vmem>>, %arg21: memref<128x64xf32, #tpu.memory_space<vmem>>) attributes {dimension_semantics = [#tpu.dimension_semantics<arbitrary>, #tpu.dimension_semantics<arbitrary>], iteration_bounds = array<i64: 2, 5>, scalar_prefetch = 0 : i64, scratch_operands = 3 : i64, tpu.core_type = #tpu.core_type<tc>, window_params = [{transform_indices = @transform_0, window_bounds = array<i64: 2, 2000, 32>}, {transform_indices = @transform_1, window_bounds = array<i64: 2, 2000, 32>}, {transform_indices = @transform_2, window_bounds = array<i64: 1>}, {pipeline_mode = #tpu.pipeline_mode<synchronous>, transform_indices = @transform_3, window_bounds = array<i64: 1, 64>}, {pipeline_mode = #tpu.pipeline_mode<synchronous>, transform_indices = @transform_4, window_bounds = array<i64: 64, 64>}, {pipeline_mode = #tpu.pipeline_mode<synchronous>, transform_indices = @transform_5, window_bounds = array<i64: 1, 64>}, {pipeline_mode = #tpu.pipeline_mode<synchronous>, transform_indices = @transform_6, window_bounds = array<i64: 1, 64>}, {pipeline_mode = #tpu.pipeline_mode<synchronous>, transform_indices = @transform_7, window_bounds = array<i64: 1, 64>}, {pipeline_mode = #tpu.pipeline_mode<synchronous>, transform_indices = @transform_8, window_bounds = array<i64: 64, 64>}, {pipeline_mode = #tpu.pipeline_mode<synchronous>, transform_indices = @transform_9, window_bounds = array<i64: 1, 64>}, {pipeline_mode = #tpu.pipeline_mode<synchronous>, transform_indices = @transform_10, window_bounds = array<i64: 64, 64>}, {pipeline_mode = #tpu.pipeline_mode<synchronous>, transform_indices = @transform_11, window_bounds = array<i64: 1, 64>}, {transform_indices = @transform_12, window_bounds = array<i64: 1, 1, 2000>}, {pipeline_mode = #tpu.pipeline_mode<synchronous>, transform_indices = @transform_13, window_bounds = array<i64: 64, 16>}, {pipeline_mode = #tpu.pipeline_mode<synchronous>, transform_indices = @transform_14, window_bounds = array<i64: 64, 16>}, {pipeline_mode = #tpu.pipeline_mode<synchronous>, transform_indices = @transform_15, window_bounds = array<i64: 128, 64>}, {transform_indices = @transform_16, window_bounds = array<i64: 2, 2000, 16>}]} {
    %eq3A = arith.constant 0 : i32
    %eq3A_0 = arith.cmpi eq, %arg0, %eq3A : i32
    %convert_element_type3A = arith.extui %eq3A_0 : i1 to i32
    %cond3A = arith.constant 0 : i32
    %cond3A_1 = arith.cmpi ne, %convert_element_type3A, %cond3A : i32
    scf.if %cond3A_1 {
      %get3A = arith.constant 0 : index
      %get3A_7 = arith.constant 0 : index
      %get3A_8 = arith.constant 0 : index
      %get3A_9 = vector.load %arg2[%get3A, %get3A_7, %get3A_8] : memref<2x2000x32xf32, #tpu.memory_space<vmem>>, vector<1x2000x32xf32>
      %get3A_10 = vector.shape_cast %get3A_9 : vector<1x2000x32xf32> to vector<2000x32xf32>
      %get3A_11 = arith.constant 1 : index
      %get3A_12 = arith.constant 0 : index
      %get3A_13 = arith.constant 0 : index
      %get3A_14 = vector.load %arg2[%get3A_11, %get3A_12, %get3A_13] : memref<2x2000x32xf32, #tpu.memory_space<vmem>>, vector<1x2000x32xf32>
      %get3A_15 = vector.shape_cast %get3A_14 : vector<1x2000x32xf32> to vector<2000x32xf32>
      %concatenate3A = tpu.concatenate %get3A_10, %get3A_15 in 1 : vector<2000x32xf32>, vector<2000x32xf32> -> vector<2000x64xf32>
      %get3A_16 = arith.constant 0 : index
      %get3A_17 = arith.constant 0 : index
      %get3A_18 = arith.constant 0 : index
      %get3A_19 = vector.load %arg3[%get3A_16, %get3A_17, %get3A_18] : memref<2x2000x32xf32, #tpu.memory_space<vmem>>, vector<1x2000x32xf32>
      %get3A_20 = vector.shape_cast %get3A_19 : vector<1x2000x32xf32> to vector<2000x32xf32>
      %get3A_21 = arith.constant 1 : index
      %get3A_22 = arith.constant 0 : index
      %get3A_23 = arith.constant 0 : index
      %get3A_24 = vector.load %arg3[%get3A_21, %get3A_22, %get3A_23] : memref<2x2000x32xf32, #tpu.memory_space<vmem>>, vector<1x2000x32xf32>
      %get3A_25 = vector.shape_cast %get3A_24 : vector<1x2000x32xf32> to vector<2000x32xf32>
      %concatenate3A_26 = tpu.concatenate %get3A_20, %get3A_25 in 1 : vector<2000x32xf32>, vector<2000x32xf32> -> vector<2000x64xf32>
      %get3A_27 = arith.constant 0 : index
      %get3A_28 = memref.load %arg4[%get3A_27] : memref<1xf32, #tpu.memory_space<smem>>
      %add3A = arith.constant 1.000000e+00 : f32
      %add3A_29 = arith.addf %add3A, %get3A_28 : f32
      %mul3A = vector.broadcast %add3A_29 : f32 to vector<2000x64xf32>
      %mul3A_30 = arith.mulf %concatenate3A, %mul3A : vector<2000x64xf32>
      %add3A_31 = arith.addf %mul3A_30, %concatenate3A_26 : vector<2000x64xf32>
      %get3A_32 = arith.constant 0 : index
      %get3A_33 = arith.constant 0 : index
      %get3A_34 = vector.load %arg5[%get3A_32, %get3A_33] : memref<1x64xf32, #tpu.memory_space<vmem>>, vector<1x64xf32>
      %add3A_35 = vector.broadcast %get3A_34 : vector<1x64xf32> to vector<2000x64xf32>
      %add3A_36 = arith.addf %add3A_31, %add3A_35 : vector<2000x64xf32>
      %max3A = arith.constant 0.000000e+00 : f32
      %max3A_37 = vector.broadcast %max3A : f32 to vector<2000x64xf32>
      %max3A_38 = arith.maximumf %add3A_36, %max3A_37 : vector<2000x64xf32>
      %get3A_39 = arith.constant 0 : index
      %get3A_40 = arith.constant 0 : index
      %get3A_41 = vector.load %arg6[%get3A_39, %get3A_40] : memref<64x64xf32, #tpu.memory_space<vmem>>, vector<64x64xf32>
      %dot_general3A = arith.constant dense<0.000000e+00> : vector<2000x64xf32>
      %dot_general3A_42 = tpu.matmul %max3A_38, %get3A_41, %dot_general3A {dimension_numbers = #tpu.dot_dimension_numbers<[1], [0], [0], [1], [0, 0, 1, 1], [], []>, transpose_lhs_hint = false} : vector<2000x64xf32>, vector<64x64xf32>, vector<2000x64xf32> -> vector<2000x64xf32>
      %get3A_43 = arith.constant 0 : index
      %get3A_44 = arith.constant 0 : index
      %get3A_45 = vector.load %arg7[%get3A_43, %get3A_44] : memref<1x64xf32, #tpu.memory_space<vmem>>, vector<1x64xf32>
      %add3A_46 = vector.broadcast %get3A_45 : vector<1x64xf32> to vector<2000x64xf32>
      %add3A_47 = arith.addf %dot_general3A_42, %add3A_46 : vector<2000x64xf32>
      %mul3A_48 = arith.constant 2000 : i32
      %mul3A_49 = arith.muli %arg1, %mul3A_48 : i32
      %swap3A = arith.index_cast %mul3A_49 : i32 to index
      %swap3A_50 = arith.constant 0 : index
      %swap3A_51 = vector.load %arg19[%swap3A, %swap3A_50] : memref<10000x64xf32, #tpu.memory_space<vmem>>, vector<2000x64xf32>
      tpu.vector_store %arg19[%swap3A, %swap3A_50], %add3A_47 {strides = array<i32>} : memref<10000x64xf32, #tpu.memory_space<vmem>>, vector<2000x64xf32>,
      %eq3A_52 = arith.constant 0 : i32
      %eq3A_53 = arith.cmpi eq, %arg1, %eq3A_52 : i32
      %convert_element_type3A_54 = arith.extui %eq3A_53 : i1 to i32
      %cond3A_55 = arith.constant 0 : i32
      %cond3A_56 = arith.cmpi ne, %convert_element_type3A_54, %cond3A_55 : i32
      scf.if %cond3A_56 {
        %broadcast_in_dim3A_76 = arith.constant 0.000000e+00 : f32
        %broadcast_in_dim3A_77 = vector.broadcast %broadcast_in_dim3A_76 : f32 to vector<8x64xf32>
        %swap3A_78 = arith.constant 0 : index
        %swap3A_79 = arith.constant 0 : index
        %swap3A_80 = vector.load %arg20[%swap3A_78, %swap3A_79] : memref<8x64xf32, #tpu.memory_space<vmem>>, vector<8x64xf32>
        tpu.vector_store %arg20[%swap3A_78, %swap3A_79], %broadcast_in_dim3A_77 {strides = array<i32>} : memref<8x64xf32, #tpu.memory_space<vmem>>, vector<8x64xf32>,
      } else {
      }
      %get3A_57 = arith.constant 0 : index
      %get3A_58 = arith.constant 0 : index
      %get3A_59 = vector.load %arg20[%get3A_57, %get3A_58] : memref<8x64xf32, #tpu.memory_space<vmem>>, vector<1x64xf32>
      %reduce_sum3A = arith.constant dense<0.000000e+00> : vector<64xf32>
      %reduce_sum3A_60 = vector.multi_reduction <add>, %add3A_47, %reduce_sum3A [0] : vector<2000x64xf32> to vector<64xf32>
      %broadcast_in_dim3A = vector.shape_cast %reduce_sum3A_60 : vector<64xf32> to vector<1x64xf32>
      %add3A_61 = arith.addf %get3A_59, %broadcast_in_dim3A : vector<1x64xf32>
      %swap3A_62 = arith.constant 0 : index
      %swap3A_63 = arith.constant 0 : index
      %swap3A_64 = vector.load %arg20[%swap3A_62, %swap3A_63] : memref<8x64xf32, #tpu.memory_space<vmem>>, vector<1x64xf32>
      tpu.vector_store %arg20[%swap3A_62, %swap3A_63], %add3A_61 {strides = array<i32>} : memref<8x64xf32, #tpu.memory_space<vmem>>, vector<1x64xf32>,
      %get3A_65 = arith.constant 1 : index
      %get3A_66 = arith.constant 0 : index
      %get3A_67 = vector.load %arg20[%get3A_65, %get3A_66] : memref<8x64xf32, #tpu.memory_space<vmem>>, vector<1x64xf32>
      %mul3A_68 = arith.mulf %add3A_47, %add3A_47 : vector<2000x64xf32>
      %reduce_sum3A_69 = arith.constant dense<0.000000e+00> : vector<64xf32>
      %reduce_sum3A_70 = vector.multi_reduction <add>, %mul3A_68, %reduce_sum3A_69 [0] : vector<2000x64xf32> to vector<64xf32>
      %broadcast_in_dim3A_71 = vector.shape_cast %reduce_sum3A_70 : vector<64xf32> to vector<1x64xf32>
      %add3A_72 = arith.addf %get3A_67, %broadcast_in_dim3A_71 : vector<1x64xf32>
      %swap3A_73 = arith.constant 1 : index
      %swap3A_74 = arith.constant 0 : index
      %swap3A_75 = vector.load %arg20[%swap3A_73, %swap3A_74] : memref<8x64xf32, #tpu.memory_space<vmem>>, vector<1x64xf32>
      tpu.vector_store %arg20[%swap3A_73, %swap3A_74], %add3A_72 {strides = array<i32>} : memref<8x64xf32, #tpu.memory_space<vmem>>, vector<1x64xf32>,
    } else {
    }
    %eq3A_2 = arith.constant 1 : i32
    %eq3A_3 = arith.cmpi eq, %arg0, %eq3A_2 : i32
    %convert_element_type3A_4 = arith.extui %eq3A_3 : i1 to i32
    %cond3A_5 = arith.constant 0 : i32
    %cond3A_6 = arith.cmpi ne, %convert_element_type3A_4, %cond3A_5 : i32
    scf.if %cond3A_6 {
      %get3A = arith.constant 0 : index
      %get3A_7 = arith.constant 0 : index
      %get3A_8 = vector.load %arg20[%get3A, %get3A_7] : memref<8x64xf32, #tpu.memory_space<vmem>>, vector<1x64xf32>
      %mul3A = arith.constant 9.99999974E-5 : f32
      %mul3A_9 = vector.broadcast %mul3A : f32 to vector<1x64xf32>
      %mul3A_10 = arith.mulf %get3A_8, %mul3A_9 : vector<1x64xf32>
      %get3A_11 = arith.constant 1 : index
      %get3A_12 = arith.constant 0 : index
      %get3A_13 = vector.load %arg20[%get3A_11, %get3A_12] : memref<8x64xf32, #tpu.memory_space<vmem>>, vector<1x64xf32>
      %mul3A_14 = arith.constant 9.99999974E-5 : f32
      %mul3A_15 = vector.broadcast %mul3A_14 : f32 to vector<1x64xf32>
      %mul3A_16 = arith.mulf %get3A_13, %mul3A_15 : vector<1x64xf32>
      %mul3A_17 = arith.mulf %mul3A_10, %mul3A_10 : vector<1x64xf32>
      %sub3A = arith.subf %mul3A_16, %mul3A_17 : vector<1x64xf32>
      %add3A = arith.constant 9.99999974E-6 : f32
      %add3A_18 = vector.broadcast %add3A : f32 to vector<1x64xf32>
      %add3A_19 = arith.addf %sub3A, %add3A_18 : vector<1x64xf32>
      %rsqrt3A = math.rsqrt %add3A_19 : vector<1x64xf32>
      %mul3A_20 = arith.constant 2000 : i32
      %mul3A_21 = arith.muli %arg1, %mul3A_20 : i32
      %get3A_22 = arith.index_cast %mul3A_21 : i32 to index
      %get3A_23 = arith.constant 0 : index
      %get3A_24 = vector.load %arg19[%get3A_22, %get3A_23] : memref<10000x64xf32, #tpu.memory_space<vmem>>, vector<2000x64xf32>
      %sub3A_25 = vector.broadcast %mul3A_10 : vector<1x64xf32> to vector<2000x64xf32>
      %sub3A_26 = arith.subf %get3A_24, %sub3A_25 : vector<2000x64xf32>
      %mul3A_27 = vector.broadcast %rsqrt3A : vector<1x64xf32> to vector<2000x64xf32>
      %mul3A_28 = arith.mulf %sub3A_26, %mul3A_27 : vector<2000x64xf32>
      %get3A_29 = arith.constant 0 : index
      %get3A_30 = arith.constant 0 : index
      %get3A_31 = vector.load %arg8[%get3A_29, %get3A_30] : memref<1x64xf32, #tpu.memory_space<vmem>>, vector<1x64xf32>
      %mul3A_32 = vector.broadcast %get3A_31 : vector<1x64xf32> to vector<2000x64xf32>
      %mul3A_33 = arith.mulf %mul3A_28, %mul3A_32 : vector<2000x64xf32>
      %get3A_34 = arith.constant 0 : index
      %get3A_35 = arith.constant 0 : index
      %get3A_36 = vector.load %arg9[%get3A_34, %get3A_35] : memref<1x64xf32, #tpu.memory_space<vmem>>, vector<1x64xf32>
      %add3A_37 = vector.broadcast %get3A_36 : vector<1x64xf32> to vector<2000x64xf32>
      %add3A_38 = arith.addf %mul3A_33, %add3A_37 : vector<2000x64xf32>
      %max3A = arith.constant 0.000000e+00 : f32
      %max3A_39 = vector.broadcast %max3A : f32 to vector<2000x64xf32>
      %max3A_40 = arith.maximumf %add3A_38, %max3A_39 : vector<2000x64xf32>
      %get3A_41 = arith.constant 0 : index
      %get3A_42 = arith.constant 0 : index
      %get3A_43 = vector.load %arg15[%get3A_41, %get3A_42] : memref<64x16xf32, #tpu.memory_space<vmem>>, vector<64x16xf32>
      %dot_general3A = arith.constant dense<0.000000e+00> : vector<2000x16xf32>
      %dot_general3A_44 = tpu.matmul %max3A_40, %get3A_43, %dot_general3A {dimension_numbers = #tpu.dot_dimension_numbers<[1], [0], [0], [1], [0, 0, 1, 1], [], []>, transpose_lhs_hint = false} : vector<2000x64xf32>, vector<64x16xf32>, vector<2000x16xf32> -> vector<2000x16xf32>
      %swap3A = arith.constant 0 : index
      %swap3A_45 = arith.constant 0 : index
      %swap3A_46 = arith.constant 0 : index
      %swap3A_47 = vector.load %arg18[%swap3A, %swap3A_45, %swap3A_46] : memref<2x2000x16xf32, #tpu.memory_space<vmem>>, vector<1x2000x16xf32>
      %swap3A_48 = vector.shape_cast %swap3A_47 : vector<1x2000x16xf32> to vector<2000x16xf32>
      %swap3A_49 = vector.shape_cast %dot_general3A_44 : vector<2000x16xf32> to vector<1x2000x16xf32>
      tpu.vector_store %arg18[%swap3A, %swap3A_45, %swap3A_46], %swap3A_49 {strides = array<i32>} : memref<2x2000x16xf32, #tpu.memory_space<vmem>>, vector<1x2000x16xf32>,
      %get3A_50 = arith.constant 0 : index
      %get3A_51 = arith.constant 0 : index
      %get3A_52 = vector.load %arg16[%get3A_50, %get3A_51] : memref<64x16xf32, #tpu.memory_space<vmem>>, vector<64x16xf32>
      %dot_general3A_53 = arith.constant dense<0.000000e+00> : vector<2000x16xf32>
      %dot_general3A_54 = tpu.matmul %max3A_40, %get3A_52, %dot_general3A_53 {dimension_numbers = #tpu.dot_dimension_numbers<[1], [0], [0], [1], [0, 0, 1, 1], [], []>, transpose_lhs_hint = false} : vector<2000x64xf32>, vector<64x16xf32>, vector<2000x16xf32> -> vector<2000x16xf32>
      %swap3A_55 = arith.constant 1 : index
      %swap3A_56 = arith.constant 0 : index
      %swap3A_57 = arith.constant 0 : index
      %swap3A_58 = vector.load %arg18[%swap3A_55, %swap3A_56, %swap3A_57] : memref<2x2000x16xf32, #tpu.memory_space<vmem>>, vector<1x2000x16xf32>
      %swap3A_59 = vector.shape_cast %swap3A_58 : vector<1x2000x16xf32> to vector<2000x16xf32>
      %swap3A_60 = vector.shape_cast %dot_general3A_54 : vector<2000x16xf32> to vector<1x2000x16xf32>
      tpu.vector_store %arg18[%swap3A_55, %swap3A_56, %swap3A_57], %swap3A_60 {strides = array<i32>} : memref<2x2000x16xf32, #tpu.memory_space<vmem>>, vector<1x2000x16xf32>,
      %get3A_61 = arith.constant 0 : index
      %get3A_62 = arith.constant 0 : index
      %get3A_63 = vector.load %arg10[%get3A_61, %get3A_62] : memref<64x64xf32, #tpu.memory_space<vmem>>, vector<64x64xf32>
      %dot_general3A_64 = arith.constant dense<0.000000e+00> : vector<2000x64xf32>
      %dot_general3A_65 = tpu.matmul %max3A_40, %get3A_63, %dot_general3A_64 {dimension_numbers = #tpu.dot_dimension_numbers<[1], [0], [0], [1], [0, 0, 1, 1], [], []>, transpose_lhs_hint = false} : vector<2000x64xf32>, vector<64x64xf32>, vector<2000x64xf32> -> vector<2000x64xf32>
      %get3A_66 = arith.constant 0 : index
      %get3A_67 = arith.constant 0 : index
      %get3A_68 = vector.load %arg11[%get3A_66, %get3A_67] : memref<1x64xf32, #tpu.memory_space<vmem>>, vector<1x64xf32>
      %add3A_69 = vector.broadcast %get3A_68 : vector<1x64xf32> to vector<2000x64xf32>
      %add3A_70 = arith.addf %dot_general3A_65, %add3A_69 : vector<2000x64xf32>
      %max3A_71 = arith.constant 0.000000e+00 : f32
      %max3A_72 = vector.broadcast %max3A_71 : f32 to vector<2000x64xf32>
      %max3A_73 = arith.maximumf %add3A_70, %max3A_72 : vector<2000x64xf32>
      %get3A_74 = arith.constant 0 : index
      %get3A_75 = arith.constant 0 : index
      %get3A_76 = arith.constant 0 : index
      %get3A_77 = vector.load %arg14[%get3A_74, %get3A_75, %get3A_76] : memref<1x1x2000xi32, #tpu.memory_space<vmem>>, vector<1x1x2000xi32>
      %get3A_78 = vector.shape_cast %get3A_77 : vector<1x1x2000xi32> to vector<2000xi32>
      %iota3A = tpu.iota {dimensions = array<i32: 0>} : vector<128x2000xi32>
      %broadcast_in_dim3A = vector.shape_cast %get3A_78 : vector<2000xi32> to vector<1x2000xi32>
      %eq3A_79 = vector.broadcast %broadcast_in_dim3A : vector<1x2000xi32> to vector<128x2000xi32>
      %eq3A_80 = arith.cmpi eq, %iota3A, %eq3A_79 : vector<128x2000xi32>
      %convert_element_type3A_81 = arith.extui %eq3A_80 : vector<128x2000xi1> to vector<128x2000xi32>
      %convert_element_type3A_82 = arith.sitofp %convert_element_type3A_81 : vector<128x2000xi32> to vector<128x2000xf32>
      %eq3A_83 = arith.constant 0 : i32
      %eq3A_84 = arith.cmpi eq, %arg1, %eq3A_83 : i32
      %convert_element_type3A_85 = arith.extui %eq3A_84 : i1 to i32
      %cond3A_86 = arith.constant 0 : i32
      %cond3A_87 = arith.cmpi ne, %convert_element_type3A_85, %cond3A_86 : i32
      scf.if %cond3A_87 {
        %broadcast_in_dim3A_102 = arith.constant 0.000000e+00 : f32
        %broadcast_in_dim3A_103 = vector.broadcast %broadcast_in_dim3A_102 : f32 to vector<128x64xf32>
        %swap3A_104 = arith.constant 0 : index
        %swap3A_105 = arith.constant 0 : index
        %swap3A_106 = vector.load %arg21[%swap3A_104, %swap3A_105] : memref<128x64xf32, #tpu.memory_space<vmem>>, vector<128x64xf32>
        tpu.vector_store %arg21[%swap3A_104, %swap3A_105], %broadcast_in_dim3A_103 {strides = array<i32>} : memref<128x64xf32, #tpu.memory_space<vmem>>, vector<128x64xf32>,
      } else {
      }
      %get3A_88 = arith.constant 0 : index
      %get3A_89 = arith.constant 0 : index
      %get3A_90 = vector.load %arg21[%get3A_88, %get3A_89] : memref<128x64xf32, #tpu.memory_space<vmem>>, vector<128x64xf32>
      %dot_general3A_91 = arith.constant dense<0.000000e+00> : vector<128x64xf32>
      %dot_general3A_92 = tpu.matmul %convert_element_type3A_82, %max3A_73, %dot_general3A_91 {dimension_numbers = #tpu.dot_dimension_numbers<[1], [0], [0], [1], [0, 0, 1, 1], [], []>, transpose_lhs_hint = false} : vector<128x2000xf32>, vector<2000x64xf32>, vector<128x64xf32> -> vector<128x64xf32>
      %add3A_93 = arith.addf %get3A_90, %dot_general3A_92 : vector<128x64xf32>
      %swap3A_94 = arith.constant 0 : index
      %swap3A_95 = arith.constant 0 : index
      %swap3A_96 = vector.load %arg21[%swap3A_94, %swap3A_95] : memref<128x64xf32, #tpu.memory_space<vmem>>, vector<128x64xf32>
      tpu.vector_store %arg21[%swap3A_94, %swap3A_95], %add3A_93 {strides = array<i32>} : memref<128x64xf32, #tpu.memory_space<vmem>>, vector<128x64xf32>,
      %eq3A_97 = arith.constant 4 : i32
      %eq3A_98 = arith.cmpi eq, %arg1, %eq3A_97 : i32
      %convert_element_type3A_99 = arith.extui %eq3A_98 : i1 to i32
      %cond3A_100 = arith.constant 0 : i32
      %cond3A_101 = arith.cmpi ne, %convert_element_type3A_99, %cond3A_100 : i32
      scf.if %cond3A_101 {
        %get3A_102 = arith.constant 0 : index
        %get3A_103 = arith.constant 0 : index
        %get3A_104 = vector.load %arg21[%get3A_102, %get3A_103] : memref<128x64xf32, #tpu.memory_space<vmem>>, vector<128x64xf32>
        %get3A_105 = arith.constant 0 : index
        %get3A_106 = arith.constant 0 : index
        %get3A_107 = vector.load %arg12[%get3A_105, %get3A_106] : memref<64x64xf32, #tpu.memory_space<vmem>>, vector<64x64xf32>
        %dot_general3A_108 = arith.constant dense<0.000000e+00> : vector<128x64xf32>
        %dot_general3A_109 = tpu.matmul %get3A_104, %get3A_107, %dot_general3A_108 {dimension_numbers = #tpu.dot_dimension_numbers<[1], [0], [0], [1], [0, 0, 1, 1], [], []>, transpose_lhs_hint = false} : vector<128x64xf32>, vector<64x64xf32>, vector<128x64xf32> -> vector<128x64xf32>
        %get3A_110 = arith.constant 0 : index
        %get3A_111 = arith.constant 0 : index
        %get3A_112 = vector.load %arg13[%get3A_110, %get3A_111] : memref<1x64xf32, #tpu.memory_space<vmem>>, vector<1x64xf32>
        %add3A_113 = vector.broadcast %get3A_112 : vector<1x64xf32> to vector<128x64xf32>
        %add3A_114 = arith.addf %dot_general3A_109, %add3A_113 : vector<128x64xf32>
        %max3A_115 = arith.constant 0.000000e+00 : f32
        %max3A_116 = vector.broadcast %max3A_115 : f32 to vector<128x64xf32>
        %max3A_117 = arith.maximumf %add3A_114, %max3A_116 : vector<128x64xf32>
        %swap3A_118 = arith.constant 0 : index
        %swap3A_119 = arith.constant 0 : index
        %swap3A_120 = vector.load %arg17[%swap3A_118, %swap3A_119] : memref<128x64xf32, #tpu.memory_space<vmem>>, vector<128x64xf32>
        tpu.vector_store %arg17[%swap3A_118, %swap3A_119], %max3A_117 {strides = array<i32>} : memref<128x64xf32, #tpu.memory_space<vmem>>, vector<128x64xf32>,
      } else {
      }
    } else {
    }
    return
  }
  func.func @transform_0(%arg0: i32, %arg1: i32) -> (i32, i32, i32) {
    %eq3A = arith.constant 0 : i32
    %eq3A_0 = arith.cmpi eq, %arg0, %eq3A : i32
    %jit3A = arith.constant 0 : i32
    %select_n3A = arith.select %eq3A_0, %arg1, %jit3A : i32
    %c0_i32 = arith.constant 0 : i32
    %c0_i32_1 = arith.constant 0 : i32
    %c0_i32_2 = arith.constant 0 : i32
    return %c0_i32, %select_n3A, %c0_i32_1 : i32, i32, i32
  }
  func.func @transform_1(%arg0: i32, %arg1: i32) -> (i32, i32, i32) {
    %eq3A = arith.constant 0 : i32
    %eq3A_0 = arith.cmpi eq, %arg0, %eq3A : i32
    %jit3A = arith.constant 0 : i32
    %select_n3A = arith.select %eq3A_0, %arg1, %jit3A : i32
    %c0_i32 = arith.constant 0 : i32
    %c0_i32_1 = arith.constant 0 : i32
    %c0_i32_2 = arith.constant 0 : i32
    return %c0_i32, %select_n3A, %c0_i32_1 : i32, i32, i32
  }
  func.func @transform_2(%arg0: i32, %arg1: i32) -> i32 {
    %c0_i32 = arith.constant 0 : i32
    %c0_i32_0 = arith.constant 0 : i32
    return %c0_i32 : i32
  }
  func.func @transform_3(%arg0: i32, %arg1: i32) -> (i32, i32) {
    %c0_i32 = arith.constant 0 : i32
    %c0_i32_0 = arith.constant 0 : i32
    %c0_i32_1 = arith.constant 0 : i32
    return %c0_i32, %c0_i32_0 : i32, i32
  }
  func.func @transform_4(%arg0: i32, %arg1: i32) -> (i32, i32) {
    %c0_i32 = arith.constant 0 : i32
    %c0_i32_0 = arith.constant 0 : i32
    %c0_i32_1 = arith.constant 0 : i32
    return %c0_i32, %c0_i32_0 : i32, i32
  }
  func.func @transform_5(%arg0: i32, %arg1: i32) -> (i32, i32) {
    %c0_i32 = arith.constant 0 : i32
    %c0_i32_0 = arith.constant 0 : i32
    %c0_i32_1 = arith.constant 0 : i32
    return %c0_i32, %c0_i32_0 : i32, i32
  }
  func.func @transform_6(%arg0: i32, %arg1: i32) -> (i32, i32) {
    %c0_i32 = arith.constant 0 : i32
    %c0_i32_0 = arith.constant 0 : i32
    %c0_i32_1 = arith.constant 0 : i32
    return %c0_i32, %c0_i32_0 : i32, i32
  }
  func.func @transform_7(%arg0: i32, %arg1: i32) -> (i32, i32) {
    %c0_i32 = arith.constant 0 : i32
    %c0_i32_0 = arith.constant 0 : i32
    %c0_i32_1 = arith.constant 0 : i32
    return %c0_i32, %c0_i32_0 : i32, i32
  }
  func.func @transform_8(%arg0: i32, %arg1: i32) -> (i32, i32) {
    %c0_i32 = arith.constant 0 : i32
    %c0_i32_0 = arith.constant 0 : i32
    %c0_i32_1 = arith.constant 0 : i32
    return %c0_i32, %c0_i32_0 : i32, i32
  }
  func.func @transform_9(%arg0: i32, %arg1: i32) -> (i32, i32) {
    %c0_i32 = arith.constant 0 : i32
    %c0_i32_0 = arith.constant 0 : i32
    %c0_i32_1 = arith.constant 0 : i32
    return %c0_i32, %c0_i32_0 : i32, i32
  }
  func.func @transform_10(%arg0: i32, %arg1: i32) -> (i32, i32) {
    %c0_i32 = arith.constant 0 : i32
    %c0_i32_0 = arith.constant 0 : i32
    %c0_i32_1 = arith.constant 0 : i32
    return %c0_i32, %c0_i32_0 : i32, i32
  }
  func.func @transform_11(%arg0: i32, %arg1: i32) -> (i32, i32) {
    %c0_i32 = arith.constant 0 : i32
    %c0_i32_0 = arith.constant 0 : i32
    %c0_i32_1 = arith.constant 0 : i32
    return %c0_i32, %c0_i32_0 : i32, i32
  }
  func.func @transform_12(%arg0: i32, %arg1: i32) -> (i32, i32, i32) {
    %eq3A = arith.constant 1 : i32
    %eq3A_0 = arith.cmpi eq, %arg0, %eq3A : i32
    %jit3A = arith.constant 0 : i32
    %select_n3A = arith.select %eq3A_0, %arg1, %jit3A : i32
    %c0_i32 = arith.constant 0 : i32
    %c0_i32_1 = arith.constant 0 : i32
    %c0_i32_2 = arith.constant 0 : i32
    return %select_n3A, %c0_i32, %c0_i32_1 : i32, i32, i32
  }
  func.func @transform_13(%arg0: i32, %arg1: i32) -> (i32, i32) {
    %c0_i32 = arith.constant 0 : i32
    %c0_i32_0 = arith.constant 0 : i32
    %c0_i32_1 = arith.constant 0 : i32
    return %c0_i32, %c0_i32_0 : i32, i32
  }
  func.func @transform_14(%arg0: i32, %arg1: i32) -> (i32, i32) {
    %c0_i32 = arith.constant 0 : i32
    %c0_i32_0 = arith.constant 0 : i32
    %c0_i32_1 = arith.constant 0 : i32
    return %c0_i32, %c0_i32_0 : i32, i32
  }
  func.func @transform_15(%arg0: i32, %arg1: i32) -> (i32, i32) {
    %c0_i32 = arith.constant 0 : i32
    %c0_i32_0 = arith.constant 0 : i32
    %c0_i32_1 = arith.constant 0 : i32
    return %c0_i32, %c0_i32_0 : i32, i32
  }
  func.func @transform_16(%arg0: i32, %arg1: i32) -> (i32, i32, i32) {
    %eq3A = arith.constant 1 : i32
    %eq3A_0 = arith.cmpi eq, %arg0, %eq3A : i32
    %jit3A = arith.constant 0 : i32
    %select_n3A = arith.select %eq3A_0, %arg1, %jit3A : i32
    %c0_i32 = arith.constant 0 : i32
    %c0_i32_1 = arith.constant 0 : i32
    %c0_i32_2 = arith.constant 0 : i32
    return %c0_i32, %select_n3A, %c0_i32_1 : i32, i32, i32
  }
}

module attributes {stable_mosaic.version = 14 : i64} {
  func.func @body(%arg0: i32, %arg1: i32, %arg2: memref<2x2000x16xf32, #tpu.memory_space<vmem>>, %arg3: memref<2x2000x16xf32, #tpu.memory_space<vmem>>, %arg4: memref<1xf32, #tpu.memory_space<smem>>, %arg5: memref<1x32xf32, #tpu.memory_space<vmem>>, %arg6: memref<32x32xf32, #tpu.memory_space<vmem>>, %arg7: memref<1x32xf32, #tpu.memory_space<vmem>>, %arg8: memref<1x32xf32, #tpu.memory_space<vmem>>, %arg9: memref<1x32xf32, #tpu.memory_space<vmem>>, %arg10: memref<32x32xf32, #tpu.memory_space<vmem>>, %arg11: memref<1x32xf32, #tpu.memory_space<vmem>>, %arg12: memref<32x32xf32, #tpu.memory_space<vmem>>, %arg13: memref<1x32xf32, #tpu.memory_space<vmem>>, %arg14: memref<1x1x2000xi32, #tpu.memory_space<vmem>>, %arg15: memref<32x8xf32, #tpu.memory_space<vmem>>, %arg16: memref<32x8xf32, #tpu.memory_space<vmem>>, %arg17: memref<128x32xf32, #tpu.memory_space<vmem>>, %arg18: memref<2x2000x8xf32, #tpu.memory_space<vmem>>, %arg19: memref<10000x32xf32, #tpu.memory_space<vmem>>, %arg20: memref<8x32xf32, #tpu.memory_space<vmem>>, %arg21: memref<128x32xf32, #tpu.memory_space<vmem>>) attributes {dimension_semantics = [#tpu.dimension_semantics<arbitrary>, #tpu.dimension_semantics<arbitrary>], iteration_bounds = array<i64: 2, 5>, scalar_prefetch = 0 : i64, scratch_operands = 3 : i64, tpu.core_type = #tpu.core_type<tc>, window_params = [{transform_indices = @transform_0, window_bounds = array<i64: 2, 2000, 16>}, {transform_indices = @transform_1, window_bounds = array<i64: 2, 2000, 16>}, {transform_indices = @transform_2, window_bounds = array<i64: 1>}, {pipeline_mode = #tpu.pipeline_mode<synchronous>, transform_indices = @transform_3, window_bounds = array<i64: 1, 32>}, {pipeline_mode = #tpu.pipeline_mode<synchronous>, transform_indices = @transform_4, window_bounds = array<i64: 32, 32>}, {pipeline_mode = #tpu.pipeline_mode<synchronous>, transform_indices = @transform_5, window_bounds = array<i64: 1, 32>}, {pipeline_mode = #tpu.pipeline_mode<synchronous>, transform_indices = @transform_6, window_bounds = array<i64: 1, 32>}, {pipeline_mode = #tpu.pipeline_mode<synchronous>, transform_indices = @transform_7, window_bounds = array<i64: 1, 32>}, {pipeline_mode = #tpu.pipeline_mode<synchronous>, transform_indices = @transform_8, window_bounds = array<i64: 32, 32>}, {pipeline_mode = #tpu.pipeline_mode<synchronous>, transform_indices = @transform_9, window_bounds = array<i64: 1, 32>}, {pipeline_mode = #tpu.pipeline_mode<synchronous>, transform_indices = @transform_10, window_bounds = array<i64: 32, 32>}, {pipeline_mode = #tpu.pipeline_mode<synchronous>, transform_indices = @transform_11, window_bounds = array<i64: 1, 32>}, {transform_indices = @transform_12, window_bounds = array<i64: 1, 1, 2000>}, {pipeline_mode = #tpu.pipeline_mode<synchronous>, transform_indices = @transform_13, window_bounds = array<i64: 32, 8>}, {pipeline_mode = #tpu.pipeline_mode<synchronous>, transform_indices = @transform_14, window_bounds = array<i64: 32, 8>}, {pipeline_mode = #tpu.pipeline_mode<synchronous>, transform_indices = @transform_15, window_bounds = array<i64: 128, 32>}, {pipeline_mode = #tpu.pipeline_mode<synchronous>, transform_indices = @transform_16, window_bounds = array<i64: 2, 2000, 8>}]} {
    %eq3A = arith.constant 0 : i32
    %eq3A_0 = arith.cmpi eq, %arg0, %eq3A : i32
    %convert_element_type3A = arith.extui %eq3A_0 : i1 to i32
    %cond3A = arith.constant 0 : i32
    %cond3A_1 = arith.cmpi ne, %convert_element_type3A, %cond3A : i32
    scf.if %cond3A_1 {
      %get3A = arith.constant 0 : index
      %get3A_7 = arith.constant 0 : index
      %get3A_8 = arith.constant 0 : index
      %get3A_9 = vector.load %arg2[%get3A, %get3A_7, %get3A_8] : memref<2x2000x16xf32, #tpu.memory_space<vmem>>, vector<1x2000x16xf32>
      %get3A_10 = vector.shape_cast %get3A_9 : vector<1x2000x16xf32> to vector<2000x16xf32>
      %get3A_11 = arith.constant 1 : index
      %get3A_12 = arith.constant 0 : index
      %get3A_13 = arith.constant 0 : index
      %get3A_14 = vector.load %arg2[%get3A_11, %get3A_12, %get3A_13] : memref<2x2000x16xf32, #tpu.memory_space<vmem>>, vector<1x2000x16xf32>
      %get3A_15 = vector.shape_cast %get3A_14 : vector<1x2000x16xf32> to vector<2000x16xf32>
      %concatenate3A = tpu.concatenate %get3A_10, %get3A_15 in 1 : vector<2000x16xf32>, vector<2000x16xf32> -> vector<2000x32xf32>
      %get3A_16 = arith.constant 0 : index
      %get3A_17 = arith.constant 0 : index
      %get3A_18 = arith.constant 0 : index
      %get3A_19 = vector.load %arg3[%get3A_16, %get3A_17, %get3A_18] : memref<2x2000x16xf32, #tpu.memory_space<vmem>>, vector<1x2000x16xf32>
      %get3A_20 = vector.shape_cast %get3A_19 : vector<1x2000x16xf32> to vector<2000x16xf32>
      %get3A_21 = arith.constant 1 : index
      %get3A_22 = arith.constant 0 : index
      %get3A_23 = arith.constant 0 : index
      %get3A_24 = vector.load %arg3[%get3A_21, %get3A_22, %get3A_23] : memref<2x2000x16xf32, #tpu.memory_space<vmem>>, vector<1x2000x16xf32>
      %get3A_25 = vector.shape_cast %get3A_24 : vector<1x2000x16xf32> to vector<2000x16xf32>
      %concatenate3A_26 = tpu.concatenate %get3A_20, %get3A_25 in 1 : vector<2000x16xf32>, vector<2000x16xf32> -> vector<2000x32xf32>
      %get3A_27 = arith.constant 0 : index
      %get3A_28 = memref.load %arg4[%get3A_27] : memref<1xf32, #tpu.memory_space<smem>>
      %add3A = arith.constant 1.000000e+00 : f32
      %add3A_29 = arith.addf %add3A, %get3A_28 : f32
      %mul3A = vector.broadcast %add3A_29 : f32 to vector<2000x32xf32>
      %mul3A_30 = arith.mulf %concatenate3A, %mul3A : vector<2000x32xf32>
      %add3A_31 = arith.addf %mul3A_30, %concatenate3A_26 : vector<2000x32xf32>
      %get3A_32 = arith.constant 0 : index
      %get3A_33 = arith.constant 0 : index
      %get3A_34 = vector.load %arg5[%get3A_32, %get3A_33] : memref<1x32xf32, #tpu.memory_space<vmem>>, vector<1x32xf32>
      %add3A_35 = vector.broadcast %get3A_34 : vector<1x32xf32> to vector<2000x32xf32>
      %add3A_36 = arith.addf %add3A_31, %add3A_35 : vector<2000x32xf32>
      %max3A = arith.constant 0.000000e+00 : f32
      %max3A_37 = vector.broadcast %max3A : f32 to vector<2000x32xf32>
      %max3A_38 = arith.maximumf %add3A_36, %max3A_37 : vector<2000x32xf32>
      %get3A_39 = arith.constant 0 : index
      %get3A_40 = arith.constant 0 : index
      %get3A_41 = vector.load %arg6[%get3A_39, %get3A_40] : memref<32x32xf32, #tpu.memory_space<vmem>>, vector<32x32xf32>
      %dot_general3A = arith.constant dense<0.000000e+00> : vector<2000x32xf32>
      %dot_general3A_42 = tpu.matmul %max3A_38, %get3A_41, %dot_general3A {dimension_numbers = #tpu.dot_dimension_numbers<[1], [0], [0], [1], [0, 0, 1, 1], [], []>, transpose_lhs_hint = false} : vector<2000x32xf32>, vector<32x32xf32>, vector<2000x32xf32> -> vector<2000x32xf32>
      %get3A_43 = arith.constant 0 : index
      %get3A_44 = arith.constant 0 : index
      %get3A_45 = vector.load %arg7[%get3A_43, %get3A_44] : memref<1x32xf32, #tpu.memory_space<vmem>>, vector<1x32xf32>
      %add3A_46 = vector.broadcast %get3A_45 : vector<1x32xf32> to vector<2000x32xf32>
      %add3A_47 = arith.addf %dot_general3A_42, %add3A_46 : vector<2000x32xf32>
      %mul3A_48 = arith.constant 2000 : i32
      %mul3A_49 = arith.muli %arg1, %mul3A_48 : i32
      %swap3A = arith.index_cast %mul3A_49 : i32 to index
      %swap3A_50 = arith.constant 0 : index
      %swap3A_51 = vector.load %arg19[%swap3A, %swap3A_50] : memref<10000x32xf32, #tpu.memory_space<vmem>>, vector<2000x32xf32>
      tpu.vector_store %arg19[%swap3A, %swap3A_50], %add3A_47 {strides = array<i32>} : memref<10000x32xf32, #tpu.memory_space<vmem>>, vector<2000x32xf32>,
      %eq3A_52 = arith.constant 0 : i32
      %eq3A_53 = arith.cmpi eq, %arg1, %eq3A_52 : i32
      %convert_element_type3A_54 = arith.extui %eq3A_53 : i1 to i32
      %cond3A_55 = arith.constant 0 : i32
      %cond3A_56 = arith.cmpi ne, %convert_element_type3A_54, %cond3A_55 : i32
      scf.if %cond3A_56 {
        %broadcast_in_dim3A_76 = arith.constant 0.000000e+00 : f32
        %broadcast_in_dim3A_77 = vector.broadcast %broadcast_in_dim3A_76 : f32 to vector<8x32xf32>
        %swap3A_78 = arith.constant 0 : index
        %swap3A_79 = arith.constant 0 : index
        %swap3A_80 = vector.load %arg20[%swap3A_78, %swap3A_79] : memref<8x32xf32, #tpu.memory_space<vmem>>, vector<8x32xf32>
        tpu.vector_store %arg20[%swap3A_78, %swap3A_79], %broadcast_in_dim3A_77 {strides = array<i32>} : memref<8x32xf32, #tpu.memory_space<vmem>>, vector<8x32xf32>,
      } else {
      }
      %get3A_57 = arith.constant 0 : index
      %get3A_58 = arith.constant 0 : index
      %get3A_59 = vector.load %arg20[%get3A_57, %get3A_58] : memref<8x32xf32, #tpu.memory_space<vmem>>, vector<1x32xf32>
      %reduce_sum3A = arith.constant dense<0.000000e+00> : vector<32xf32>
      %reduce_sum3A_60 = vector.multi_reduction <add>, %add3A_47, %reduce_sum3A [0] : vector<2000x32xf32> to vector<32xf32>
      %broadcast_in_dim3A = vector.shape_cast %reduce_sum3A_60 : vector<32xf32> to vector<1x32xf32>
      %add3A_61 = arith.addf %get3A_59, %broadcast_in_dim3A : vector<1x32xf32>
      %swap3A_62 = arith.constant 0 : index
      %swap3A_63 = arith.constant 0 : index
      %swap3A_64 = vector.load %arg20[%swap3A_62, %swap3A_63] : memref<8x32xf32, #tpu.memory_space<vmem>>, vector<1x32xf32>
      tpu.vector_store %arg20[%swap3A_62, %swap3A_63], %add3A_61 {strides = array<i32>} : memref<8x32xf32, #tpu.memory_space<vmem>>, vector<1x32xf32>,
      %get3A_65 = arith.constant 1 : index
      %get3A_66 = arith.constant 0 : index
      %get3A_67 = vector.load %arg20[%get3A_65, %get3A_66] : memref<8x32xf32, #tpu.memory_space<vmem>>, vector<1x32xf32>
      %mul3A_68 = arith.mulf %add3A_47, %add3A_47 : vector<2000x32xf32>
      %reduce_sum3A_69 = arith.constant dense<0.000000e+00> : vector<32xf32>
      %reduce_sum3A_70 = vector.multi_reduction <add>, %mul3A_68, %reduce_sum3A_69 [0] : vector<2000x32xf32> to vector<32xf32>
      %broadcast_in_dim3A_71 = vector.shape_cast %reduce_sum3A_70 : vector<32xf32> to vector<1x32xf32>
      %add3A_72 = arith.addf %get3A_67, %broadcast_in_dim3A_71 : vector<1x32xf32>
      %swap3A_73 = arith.constant 1 : index
      %swap3A_74 = arith.constant 0 : index
      %swap3A_75 = vector.load %arg20[%swap3A_73, %swap3A_74] : memref<8x32xf32, #tpu.memory_space<vmem>>, vector<1x32xf32>
      tpu.vector_store %arg20[%swap3A_73, %swap3A_74], %add3A_72 {strides = array<i32>} : memref<8x32xf32, #tpu.memory_space<vmem>>, vector<1x32xf32>,
    } else {
    }
    %eq3A_2 = arith.constant 1 : i32
    %eq3A_3 = arith.cmpi eq, %arg0, %eq3A_2 : i32
    %convert_element_type3A_4 = arith.extui %eq3A_3 : i1 to i32
    %cond3A_5 = arith.constant 0 : i32
    %cond3A_6 = arith.cmpi ne, %convert_element_type3A_4, %cond3A_5 : i32
    scf.if %cond3A_6 {
      %get3A = arith.constant 0 : index
      %get3A_7 = arith.constant 0 : index
      %get3A_8 = vector.load %arg20[%get3A, %get3A_7] : memref<8x32xf32, #tpu.memory_space<vmem>>, vector<1x32xf32>
      %mul3A = arith.constant 9.99999974E-5 : f32
      %mul3A_9 = vector.broadcast %mul3A : f32 to vector<1x32xf32>
      %mul3A_10 = arith.mulf %get3A_8, %mul3A_9 : vector<1x32xf32>
      %get3A_11 = arith.constant 1 : index
      %get3A_12 = arith.constant 0 : index
      %get3A_13 = vector.load %arg20[%get3A_11, %get3A_12] : memref<8x32xf32, #tpu.memory_space<vmem>>, vector<1x32xf32>
      %mul3A_14 = arith.constant 9.99999974E-5 : f32
      %mul3A_15 = vector.broadcast %mul3A_14 : f32 to vector<1x32xf32>
      %mul3A_16 = arith.mulf %get3A_13, %mul3A_15 : vector<1x32xf32>
      %mul3A_17 = arith.mulf %mul3A_10, %mul3A_10 : vector<1x32xf32>
      %sub3A = arith.subf %mul3A_16, %mul3A_17 : vector<1x32xf32>
      %add3A = arith.constant 9.99999974E-6 : f32
      %add3A_18 = vector.broadcast %add3A : f32 to vector<1x32xf32>
      %add3A_19 = arith.addf %sub3A, %add3A_18 : vector<1x32xf32>
      %rsqrt3A = math.rsqrt %add3A_19 : vector<1x32xf32>
      %mul3A_20 = arith.constant 2000 : i32
      %mul3A_21 = arith.muli %arg1, %mul3A_20 : i32
      %get3A_22 = arith.index_cast %mul3A_21 : i32 to index
      %get3A_23 = arith.constant 0 : index
      %get3A_24 = vector.load %arg19[%get3A_22, %get3A_23] : memref<10000x32xf32, #tpu.memory_space<vmem>>, vector<2000x32xf32>
      %sub3A_25 = vector.broadcast %mul3A_10 : vector<1x32xf32> to vector<2000x32xf32>
      %sub3A_26 = arith.subf %get3A_24, %sub3A_25 : vector<2000x32xf32>
      %mul3A_27 = vector.broadcast %rsqrt3A : vector<1x32xf32> to vector<2000x32xf32>
      %mul3A_28 = arith.mulf %sub3A_26, %mul3A_27 : vector<2000x32xf32>
      %get3A_29 = arith.constant 0 : index
      %get3A_30 = arith.constant 0 : index
      %get3A_31 = vector.load %arg8[%get3A_29, %get3A_30] : memref<1x32xf32, #tpu.memory_space<vmem>>, vector<1x32xf32>
      %mul3A_32 = vector.broadcast %get3A_31 : vector<1x32xf32> to vector<2000x32xf32>
      %mul3A_33 = arith.mulf %mul3A_28, %mul3A_32 : vector<2000x32xf32>
      %get3A_34 = arith.constant 0 : index
      %get3A_35 = arith.constant 0 : index
      %get3A_36 = vector.load %arg9[%get3A_34, %get3A_35] : memref<1x32xf32, #tpu.memory_space<vmem>>, vector<1x32xf32>
      %add3A_37 = vector.broadcast %get3A_36 : vector<1x32xf32> to vector<2000x32xf32>
      %add3A_38 = arith.addf %mul3A_33, %add3A_37 : vector<2000x32xf32>
      %max3A = arith.constant 0.000000e+00 : f32
      %max3A_39 = vector.broadcast %max3A : f32 to vector<2000x32xf32>
      %max3A_40 = arith.maximumf %add3A_38, %max3A_39 : vector<2000x32xf32>
      %get3A_41 = arith.constant 0 : index
      %get3A_42 = arith.constant 0 : index
      %get3A_43 = vector.load %arg10[%get3A_41, %get3A_42] : memref<32x32xf32, #tpu.memory_space<vmem>>, vector<32x32xf32>
      %dot_general3A = arith.constant dense<0.000000e+00> : vector<2000x32xf32>
      %dot_general3A_44 = tpu.matmul %max3A_40, %get3A_43, %dot_general3A {dimension_numbers = #tpu.dot_dimension_numbers<[1], [0], [0], [1], [0, 0, 1, 1], [], []>, transpose_lhs_hint = false} : vector<2000x32xf32>, vector<32x32xf32>, vector<2000x32xf32> -> vector<2000x32xf32>
      %get3A_45 = arith.constant 0 : index
      %get3A_46 = arith.constant 0 : index
      %get3A_47 = vector.load %arg11[%get3A_45, %get3A_46] : memref<1x32xf32, #tpu.memory_space<vmem>>, vector<1x32xf32>
      %add3A_48 = vector.broadcast %get3A_47 : vector<1x32xf32> to vector<2000x32xf32>
      %add3A_49 = arith.addf %dot_general3A_44, %add3A_48 : vector<2000x32xf32>
      %max3A_50 = arith.constant 0.000000e+00 : f32
      %max3A_51 = vector.broadcast %max3A_50 : f32 to vector<2000x32xf32>
      %max3A_52 = arith.maximumf %add3A_49, %max3A_51 : vector<2000x32xf32>
      %get3A_53 = arith.constant 0 : index
      %get3A_54 = arith.constant 0 : index
      %get3A_55 = arith.constant 0 : index
      %get3A_56 = vector.load %arg14[%get3A_53, %get3A_54, %get3A_55] : memref<1x1x2000xi32, #tpu.memory_space<vmem>>, vector<1x1x2000xi32>
      %get3A_57 = vector.shape_cast %get3A_56 : vector<1x1x2000xi32> to vector<2000xi32>
      %iota3A = tpu.iota {dimensions = array<i32: 0>} : vector<128x2000xi32>
      %broadcast_in_dim3A = vector.shape_cast %get3A_57 : vector<2000xi32> to vector<1x2000xi32>
      %eq3A_58 = vector.broadcast %broadcast_in_dim3A : vector<1x2000xi32> to vector<128x2000xi32>
      %eq3A_59 = arith.cmpi eq, %iota3A, %eq3A_58 : vector<128x2000xi32>
      %convert_element_type3A_60 = arith.extui %eq3A_59 : vector<128x2000xi1> to vector<128x2000xi32>
      %convert_element_type3A_61 = arith.sitofp %convert_element_type3A_60 : vector<128x2000xi32> to vector<128x2000xf32>
      %eq3A_62 = arith.constant 0 : i32
      %eq3A_63 = arith.cmpi eq, %arg1, %eq3A_62 : i32
      %convert_element_type3A_64 = arith.extui %eq3A_63 : i1 to i32
      %cond3A_65 = arith.constant 0 : i32
      %cond3A_66 = arith.cmpi ne, %convert_element_type3A_64, %cond3A_65 : i32
      scf.if %cond3A_66 {
        %broadcast_in_dim3A_80 = arith.constant 0.000000e+00 : f32
        %broadcast_in_dim3A_81 = vector.broadcast %broadcast_in_dim3A_80 : f32 to vector<128x32xf32>
        %swap3A_82 = arith.constant 0 : index
        %swap3A_83 = arith.constant 0 : index
        %swap3A_84 = vector.load %arg21[%swap3A_82, %swap3A_83] : memref<128x32xf32, #tpu.memory_space<vmem>>, vector<128x32xf32>
        tpu.vector_store %arg21[%swap3A_82, %swap3A_83], %broadcast_in_dim3A_81 {strides = array<i32>} : memref<128x32xf32, #tpu.memory_space<vmem>>, vector<128x32xf32>,
      } else {
      }
      %get3A_67 = arith.constant 0 : index
      %get3A_68 = arith.constant 0 : index
      %get3A_69 = vector.load %arg21[%get3A_67, %get3A_68] : memref<128x32xf32, #tpu.memory_space<vmem>>, vector<128x32xf32>
      %dot_general3A_70 = arith.constant dense<0.000000e+00> : vector<128x32xf32>
      %dot_general3A_71 = tpu.matmul %convert_element_type3A_61, %max3A_52, %dot_general3A_70 {dimension_numbers = #tpu.dot_dimension_numbers<[1], [0], [0], [1], [0, 0, 1, 1], [], []>, transpose_lhs_hint = false} : vector<128x2000xf32>, vector<2000x32xf32>, vector<128x32xf32> -> vector<128x32xf32>
      %add3A_72 = arith.addf %get3A_69, %dot_general3A_71 : vector<128x32xf32>
      %swap3A = arith.constant 0 : index
      %swap3A_73 = arith.constant 0 : index
      %swap3A_74 = vector.load %arg21[%swap3A, %swap3A_73] : memref<128x32xf32, #tpu.memory_space<vmem>>, vector<128x32xf32>
      tpu.vector_store %arg21[%swap3A, %swap3A_73], %add3A_72 {strides = array<i32>} : memref<128x32xf32, #tpu.memory_space<vmem>>, vector<128x32xf32>,
      %eq3A_75 = arith.constant 4 : i32
      %eq3A_76 = arith.cmpi eq, %arg1, %eq3A_75 : i32
      %convert_element_type3A_77 = arith.extui %eq3A_76 : i1 to i32
      %cond3A_78 = arith.constant 0 : i32
      %cond3A_79 = arith.cmpi ne, %convert_element_type3A_77, %cond3A_78 : i32
      scf.if %cond3A_79 {
        %get3A_80 = arith.constant 0 : index
        %get3A_81 = arith.constant 0 : index
        %get3A_82 = vector.load %arg21[%get3A_80, %get3A_81] : memref<128x32xf32, #tpu.memory_space<vmem>>, vector<128x32xf32>
        %get3A_83 = arith.constant 0 : index
        %get3A_84 = arith.constant 0 : index
        %get3A_85 = vector.load %arg12[%get3A_83, %get3A_84] : memref<32x32xf32, #tpu.memory_space<vmem>>, vector<32x32xf32>
        %dot_general3A_86 = arith.constant dense<0.000000e+00> : vector<128x32xf32>
        %dot_general3A_87 = tpu.matmul %get3A_82, %get3A_85, %dot_general3A_86 {dimension_numbers = #tpu.dot_dimension_numbers<[1], [0], [0], [1], [0, 0, 1, 1], [], []>, transpose_lhs_hint = false} : vector<128x32xf32>, vector<32x32xf32>, vector<128x32xf32> -> vector<128x32xf32>
        %get3A_88 = arith.constant 0 : index
        %get3A_89 = arith.constant 0 : index
        %get3A_90 = vector.load %arg13[%get3A_88, %get3A_89] : memref<1x32xf32, #tpu.memory_space<vmem>>, vector<1x32xf32>
        %add3A_91 = vector.broadcast %get3A_90 : vector<1x32xf32> to vector<128x32xf32>
        %add3A_92 = arith.addf %dot_general3A_87, %add3A_91 : vector<128x32xf32>
        %max3A_93 = arith.constant 0.000000e+00 : f32
        %max3A_94 = vector.broadcast %max3A_93 : f32 to vector<128x32xf32>
        %max3A_95 = arith.maximumf %add3A_92, %max3A_94 : vector<128x32xf32>
        %swap3A_96 = arith.constant 0 : index
        %swap3A_97 = arith.constant 0 : index
        %swap3A_98 = vector.load %arg17[%swap3A_96, %swap3A_97] : memref<128x32xf32, #tpu.memory_space<vmem>>, vector<128x32xf32>
        tpu.vector_store %arg17[%swap3A_96, %swap3A_97], %max3A_95 {strides = array<i32>} : memref<128x32xf32, #tpu.memory_space<vmem>>, vector<128x32xf32>,
      } else {
      }
    } else {
    }
    return
  }
  func.func @transform_0(%arg0: i32, %arg1: i32) -> (i32, i32, i32) {
    %eq3A = arith.constant 0 : i32
    %eq3A_0 = arith.cmpi eq, %arg0, %eq3A : i32
    %jit3A = arith.constant 0 : i32
    %select_n3A = arith.select %eq3A_0, %arg1, %jit3A : i32
    %c0_i32 = arith.constant 0 : i32
    %c0_i32_1 = arith.constant 0 : i32
    %c0_i32_2 = arith.constant 0 : i32
    return %c0_i32, %select_n3A, %c0_i32_1 : i32, i32, i32
  }
  func.func @transform_1(%arg0: i32, %arg1: i32) -> (i32, i32, i32) {
    %eq3A = arith.constant 0 : i32
    %eq3A_0 = arith.cmpi eq, %arg0, %eq3A : i32
    %jit3A = arith.constant 0 : i32
    %select_n3A = arith.select %eq3A_0, %arg1, %jit3A : i32
    %c0_i32 = arith.constant 0 : i32
    %c0_i32_1 = arith.constant 0 : i32
    %c0_i32_2 = arith.constant 0 : i32
    return %c0_i32, %select_n3A, %c0_i32_1 : i32, i32, i32
  }
  func.func @transform_2(%arg0: i32, %arg1: i32) -> i32 {
    %c0_i32 = arith.constant 0 : i32
    %c0_i32_0 = arith.constant 0 : i32
    return %c0_i32 : i32
  }
  func.func @transform_3(%arg0: i32, %arg1: i32) -> (i32, i32) {
    %c0_i32 = arith.constant 0 : i32
    %c0_i32_0 = arith.constant 0 : i32
    %c0_i32_1 = arith.constant 0 : i32
    return %c0_i32, %c0_i32_0 : i32, i32
  }
  func.func @transform_4(%arg0: i32, %arg1: i32) -> (i32, i32) {
    %c0_i32 = arith.constant 0 : i32
    %c0_i32_0 = arith.constant 0 : i32
    %c0_i32_1 = arith.constant 0 : i32
    return %c0_i32, %c0_i32_0 : i32, i32
  }
  func.func @transform_5(%arg0: i32, %arg1: i32) -> (i32, i32) {
    %c0_i32 = arith.constant 0 : i32
    %c0_i32_0 = arith.constant 0 : i32
    %c0_i32_1 = arith.constant 0 : i32
    return %c0_i32, %c0_i32_0 : i32, i32
  }
  func.func @transform_6(%arg0: i32, %arg1: i32) -> (i32, i32) {
    %c0_i32 = arith.constant 0 : i32
    %c0_i32_0 = arith.constant 0 : i32
    %c0_i32_1 = arith.constant 0 : i32
    return %c0_i32, %c0_i32_0 : i32, i32
  }
  func.func @transform_7(%arg0: i32, %arg1: i32) -> (i32, i32) {
    %c0_i32 = arith.constant 0 : i32
    %c0_i32_0 = arith.constant 0 : i32
    %c0_i32_1 = arith.constant 0 : i32
    return %c0_i32, %c0_i32_0 : i32, i32
  }
  func.func @transform_8(%arg0: i32, %arg1: i32) -> (i32, i32) {
    %c0_i32 = arith.constant 0 : i32
    %c0_i32_0 = arith.constant 0 : i32
    %c0_i32_1 = arith.constant 0 : i32
    return %c0_i32, %c0_i32_0 : i32, i32
  }
  func.func @transform_9(%arg0: i32, %arg1: i32) -> (i32, i32) {
    %c0_i32 = arith.constant 0 : i32
    %c0_i32_0 = arith.constant 0 : i32
    %c0_i32_1 = arith.constant 0 : i32
    return %c0_i32, %c0_i32_0 : i32, i32
  }
  func.func @transform_10(%arg0: i32, %arg1: i32) -> (i32, i32) {
    %c0_i32 = arith.constant 0 : i32
    %c0_i32_0 = arith.constant 0 : i32
    %c0_i32_1 = arith.constant 0 : i32
    return %c0_i32, %c0_i32_0 : i32, i32
  }
  func.func @transform_11(%arg0: i32, %arg1: i32) -> (i32, i32) {
    %c0_i32 = arith.constant 0 : i32
    %c0_i32_0 = arith.constant 0 : i32
    %c0_i32_1 = arith.constant 0 : i32
    return %c0_i32, %c0_i32_0 : i32, i32
  }
  func.func @transform_12(%arg0: i32, %arg1: i32) -> (i32, i32, i32) {
    %eq3A = arith.constant 1 : i32
    %eq3A_0 = arith.cmpi eq, %arg0, %eq3A : i32
    %jit3A = arith.constant 0 : i32
    %select_n3A = arith.select %eq3A_0, %arg1, %jit3A : i32
    %c0_i32 = arith.constant 0 : i32
    %c0_i32_1 = arith.constant 0 : i32
    %c0_i32_2 = arith.constant 0 : i32
    return %select_n3A, %c0_i32, %c0_i32_1 : i32, i32, i32
  }
  func.func @transform_13(%arg0: i32, %arg1: i32) -> (i32, i32) {
    %c0_i32 = arith.constant 0 : i32
    %c0_i32_0 = arith.constant 0 : i32
    %c0_i32_1 = arith.constant 0 : i32
    return %c0_i32, %c0_i32_0 : i32, i32
  }
  func.func @transform_14(%arg0: i32, %arg1: i32) -> (i32, i32) {
    %c0_i32 = arith.constant 0 : i32
    %c0_i32_0 = arith.constant 0 : i32
    %c0_i32_1 = arith.constant 0 : i32
    return %c0_i32, %c0_i32_0 : i32, i32
  }
  func.func @transform_15(%arg0: i32, %arg1: i32) -> (i32, i32) {
    %c0_i32 = arith.constant 0 : i32
    %c0_i32_0 = arith.constant 0 : i32
    %c0_i32_1 = arith.constant 0 : i32
    return %c0_i32, %c0_i32_0 : i32, i32
  }
  func.func @transform_16(%arg0: i32, %arg1: i32) -> (i32, i32, i32) {
    %c0_i32 = arith.constant 0 : i32
    %c0_i32_0 = arith.constant 0 : i32
    %c0_i32_1 = arith.constant 0 : i32
    %c0_i32_2 = arith.constant 0 : i32
    return %c0_i32, %c0_i32_0, %c0_i32_1 : i32, i32, i32
  }
}

module attributes {stable_mosaic.version = 14 : i64} {
  func.func @_head_body(%arg0: memref<128x128xf32, #tpu.memory_space<vmem>>, %arg1: memref<128x64xf32, #tpu.memory_space<vmem>>, %arg2: memref<128x32xf32, #tpu.memory_space<vmem>>, %arg3: memref<128x112xf32, #tpu.memory_space<vmem>>, %arg4: memref<64x112xf32, #tpu.memory_space<vmem>>, %arg5: memref<32x112xf32, #tpu.memory_space<vmem>>, %arg6: memref<1x112xf32, #tpu.memory_space<vmem>>, %arg7: memref<112x112xf32, #tpu.memory_space<vmem>>, %arg8: memref<1x112xf32, #tpu.memory_space<vmem>>, %arg9: memref<112x16xf32, #tpu.memory_space<vmem>>, %arg10: memref<1x16xf32, #tpu.memory_space<vmem>>, %arg11: memref<16x1xf32, #tpu.memory_space<vmem>>, %arg12: memref<1x1xf32, #tpu.memory_space<vmem>>, %arg13: memref<128x1xf32, #tpu.memory_space<vmem>>) attributes {dimension_semantics = [], scalar_prefetch = 0 : i64, scratch_operands = 0 : i64, tpu.core_type = #tpu.core_type<tc>} {
    %get3A = arith.constant 0 : index
    %get3A_0 = arith.constant 0 : index
    %get3A_1 = vector.load %arg0[%get3A, %get3A_0] : memref<128x128xf32, #tpu.memory_space<vmem>>, vector<128x128xf32>
    %get3A_2 = arith.constant 0 : index
    %get3A_3 = arith.constant 0 : index
    %get3A_4 = vector.load %arg3[%get3A_2, %get3A_3] : memref<128x112xf32, #tpu.memory_space<vmem>>, vector<128x112xf32>
    %dot_general3A = arith.constant dense<0.000000e+00> : vector<128x112xf32>
    %dot_general3A_5 = tpu.matmul %get3A_1, %get3A_4, %dot_general3A {dimension_numbers = #tpu.dot_dimension_numbers<[1], [0], [0], [1], [0, 0, 1, 1], [], []>, transpose_lhs_hint = false} : vector<128x128xf32>, vector<128x112xf32>, vector<128x112xf32> -> vector<128x112xf32>
    %get3A_6 = arith.constant 0 : index
    %get3A_7 = arith.constant 0 : index
    %get3A_8 = vector.load %arg1[%get3A_6, %get3A_7] : memref<128x64xf32, #tpu.memory_space<vmem>>, vector<128x64xf32>
    %get3A_9 = arith.constant 0 : index
    %get3A_10 = arith.constant 0 : index
    %get3A_11 = vector.load %arg4[%get3A_9, %get3A_10] : memref<64x112xf32, #tpu.memory_space<vmem>>, vector<64x112xf32>
    %dot_general3A_12 = arith.constant dense<0.000000e+00> : vector<128x112xf32>
    %dot_general3A_13 = tpu.matmul %get3A_8, %get3A_11, %dot_general3A_12 {dimension_numbers = #tpu.dot_dimension_numbers<[1], [0], [0], [1], [0, 0, 1, 1], [], []>, transpose_lhs_hint = false} : vector<128x64xf32>, vector<64x112xf32>, vector<128x112xf32> -> vector<128x112xf32>
    %add3A = arith.addf %dot_general3A_5, %dot_general3A_13 : vector<128x112xf32>
    %get3A_14 = arith.constant 0 : index
    %get3A_15 = arith.constant 0 : index
    %get3A_16 = vector.load %arg2[%get3A_14, %get3A_15] : memref<128x32xf32, #tpu.memory_space<vmem>>, vector<128x32xf32>
    %get3A_17 = arith.constant 0 : index
    %get3A_18 = arith.constant 0 : index
    %get3A_19 = vector.load %arg5[%get3A_17, %get3A_18] : memref<32x112xf32, #tpu.memory_space<vmem>>, vector<32x112xf32>
    %dot_general3A_20 = arith.constant dense<0.000000e+00> : vector<128x112xf32>
    %dot_general3A_21 = tpu.matmul %get3A_16, %get3A_19, %dot_general3A_20 {dimension_numbers = #tpu.dot_dimension_numbers<[1], [0], [0], [1], [0, 0, 1, 1], [], []>, transpose_lhs_hint = false} : vector<128x32xf32>, vector<32x112xf32>, vector<128x112xf32> -> vector<128x112xf32>
    %add3A_22 = arith.addf %add3A, %dot_general3A_21 : vector<128x112xf32>
    %get3A_23 = arith.constant 0 : index
    %get3A_24 = arith.constant 0 : index
    %get3A_25 = vector.load %arg6[%get3A_23, %get3A_24] : memref<1x112xf32, #tpu.memory_space<vmem>>, vector<1x112xf32>
    %add3A_26 = vector.broadcast %get3A_25 : vector<1x112xf32> to vector<128x112xf32>
    %add3A_27 = arith.addf %add3A_22, %add3A_26 : vector<128x112xf32>
    %max3A = arith.constant 0.000000e+00 : f32
    %max3A_28 = vector.broadcast %max3A : f32 to vector<128x112xf32>
    %max3A_29 = arith.maximumf %add3A_27, %max3A_28 : vector<128x112xf32>
    %get3A_30 = arith.constant 0 : index
    %get3A_31 = arith.constant 0 : index
    %get3A_32 = vector.load %arg7[%get3A_30, %get3A_31] : memref<112x112xf32, #tpu.memory_space<vmem>>, vector<112x112xf32>
    %dot_general3A_33 = arith.constant dense<0.000000e+00> : vector<128x112xf32>
    %dot_general3A_34 = tpu.matmul %max3A_29, %get3A_32, %dot_general3A_33 {dimension_numbers = #tpu.dot_dimension_numbers<[1], [0], [0], [1], [0, 0, 1, 1], [], []>, transpose_lhs_hint = false} : vector<128x112xf32>, vector<112x112xf32>, vector<128x112xf32> -> vector<128x112xf32>
    %get3A_35 = arith.constant 0 : index
    %get3A_36 = arith.constant 0 : index
    %get3A_37 = vector.load %arg8[%get3A_35, %get3A_36] : memref<1x112xf32, #tpu.memory_space<vmem>>, vector<1x112xf32>
    %add3A_38 = vector.broadcast %get3A_37 : vector<1x112xf32> to vector<128x112xf32>
    %add3A_39 = arith.addf %dot_general3A_34, %add3A_38 : vector<128x112xf32>
    %tanh3A = math.tanh %add3A_39 : vector<128x112xf32>
    %get3A_40 = arith.constant 0 : index
    %get3A_41 = arith.constant 0 : index
    %get3A_42 = vector.load %arg9[%get3A_40, %get3A_41] : memref<112x16xf32, #tpu.memory_space<vmem>>, vector<112x16xf32>
    %dot_general3A_43 = arith.constant dense<0.000000e+00> : vector<128x16xf32>
    %dot_general3A_44 = tpu.matmul %tanh3A, %get3A_42, %dot_general3A_43 {dimension_numbers = #tpu.dot_dimension_numbers<[1], [0], [0], [1], [0, 0, 1, 1], [], []>, transpose_lhs_hint = false} : vector<128x112xf32>, vector<112x16xf32>, vector<128x16xf32> -> vector<128x16xf32>
    %get3A_45 = arith.constant 0 : index
    %get3A_46 = arith.constant 0 : index
    %get3A_47 = vector.load %arg10[%get3A_45, %get3A_46] : memref<1x16xf32, #tpu.memory_space<vmem>>, vector<1x16xf32>
    %add3A_48 = vector.broadcast %get3A_47 : vector<1x16xf32> to vector<128x16xf32>
    %add3A_49 = arith.addf %dot_general3A_44, %add3A_48 : vector<128x16xf32>
    %max3A_50 = arith.constant 0.000000e+00 : f32
    %max3A_51 = vector.broadcast %max3A_50 : f32 to vector<128x16xf32>
    %max3A_52 = arith.maximumf %add3A_49, %max3A_51 : vector<128x16xf32>
    %get3A_53 = arith.constant 0 : index
    %get3A_54 = arith.constant 0 : index
    %get3A_55 = vector.load %arg11[%get3A_53, %get3A_54] : memref<16x1xf32, #tpu.memory_space<vmem>>, vector<16x1xf32>
    %dot_general3A_56 = arith.constant dense<0.000000e+00> : vector<128x1xf32>
    %dot_general3A_57 = tpu.matmul %max3A_52, %get3A_55, %dot_general3A_56 {dimension_numbers = #tpu.dot_dimension_numbers<[1], [0], [0], [1], [0, 0, 1, 1], [], []>, transpose_lhs_hint = false} : vector<128x16xf32>, vector<16x1xf32>, vector<128x1xf32> -> vector<128x1xf32>
    %get3A_58 = arith.constant 0 : index
    %get3A_59 = arith.constant 0 : index
    %get3A_60 = vector.load %arg12[%get3A_58, %get3A_59] : memref<1x1xf32, #tpu.memory_space<vmem>>, vector<1x1xf32>
    %add3A_61 = vector.broadcast %get3A_60 : vector<1x1xf32> to vector<128x1xf32>
    %add3A_62 = arith.addf %dot_general3A_57, %add3A_61 : vector<128x1xf32>
    %neg3A = arith.constant 0.000000e+00 : f32
    %neg3A_63 = vector.broadcast %neg3A : f32 to vector<128x1xf32>
    %neg3A_64 = arith.subf %neg3A_63, %add3A_62 : vector<128x1xf32>
    %exp3A = math.exp %neg3A_64 : vector<128x1xf32>
    %add3A_65 = arith.constant 1.000000e+00 : f32
    %add3A_66 = vector.broadcast %add3A_65 : f32 to vector<128x1xf32>
    %add3A_67 = arith.addf %add3A_66, %exp3A : vector<128x1xf32>
    %div3A = arith.constant 1.000000e+00 : f32
    %div3A_68 = vector.broadcast %div3A : f32 to vector<128x1xf32>
    %div3A_69 = arith.divf %div3A_68, %add3A_67 : vector<128x1xf32>
    %swap3A = arith.constant 0 : index
    %swap3A_70 = arith.constant 0 : index
    %swap3A_71 = vector.load %arg13[%swap3A, %swap3A_70] : memref<128x1xf32, #tpu.memory_space<vmem>>, vector<128x1xf32>
    tpu.vector_store %arg13[%swap3A, %swap3A_70], %div3A_69 {strides = array<i32>} : memref<128x1xf32, #tpu.memory_space<vmem>>, vector<128x1xf32>,
    return
  }
}

</mosaic_0001>

<sc_bundles>
// kernel: kernel.10.cloned.1.call-start
scs
__scs_entry_jumppad:
0x0: {  	(pc) =	sbr.rel $0x88, $3  }
0x1: {  	(tag) =	ssettag $0x0;
	lr =	simm.s32 $0x1  }
0x2: {  	[smem:$0x3F75] =	sst lr;
	_ =	strace $0xD0000000  }
0x3: {  	_ = 	snop  }
0x4: {  	_ = 	snop  }
0x5: {  	_ = 	snop  }
0x6: {  	_ = 	snop  }
0x7: {  	_ = 	snop  }
__scs_overlays_trampoline_lowered:
0x8: {  	[smem:$0x3F84] =	sst s0  }
0x9: {  	[smem:$0x3F85] =	sst s1  }
0xa: {  	[smem:$0x3F86] =	sst s2  }
0xb: {  	[smem:$0x3F87] =	sst s3  }
0xc: {  	[smem:$0x3F88] =	sst s4  }
0xd: {  	[smem:$0x3F89] =	sst s5  }
0xe: {  	[smem:$0x3F8A] =	sst s6  }
0xf: {  	[smem:$0x3F8B] =	sst s7  }
0x10: {  	[smem:$0x3F8C] =	sst s8  }
0x11: {  	[smem:$0x3F8D] =	sst s9;
	s0 =	simm.s32 @!p0 $0x0  }
0x12: {  	s1 =	sld [smem:$0x3F73];
	s0 =	simm.s32 @p0 $0x1  }
0x13: {  	[smem:$0x3F8E] =	sst s0;
	s0 =	simm.s32 @!p1 $0x0  }
0x14: {  	s2 =	sld [smem:$0x3F72];
	s0 =	simm.s32 @p1 $0x1  }
0x15: {  	[smem:$0x3F8F] =	sst s0;
	s0 =	simm.s32 @!p2 $0x0  }
0x16: {  	s3 =	sld [smem:$0x3FDB];
	s0 =	simm.s32 @p2 $0x1  }
0x17: {  	s4 =	simm.s32 $0x1BF5;
	[smem:$0x3F91] =	sst s0  }
0x18: {  	s0 =	sld [smem:$0x3F74];
	_ =	swait.ge [sflag:s4], $0x0  }
0x19: {  	s7 =	sld [smem:$0x3F75]  }
0x1a: {  	s8 =	sadd.s32 $0xFFFFE003, lr  }
0x1b: {  	s9 =	sadd.s32 $0xFFFFFEF7, lr;
	s5 =	simm.s32 $0xFFFFFFFF;
	p2 =	slt.u32 s8, $0xFFFFF086  }
0x1c: {  	p1 =	slt.u32 s9, $0xF7A;
	s5 =	simm.s32 @!p2 $0x0  }
0x1d: {  	s5 =	simm.s32 @p1 $0x1;
	p0 =	seq.s32 s7, s2  }
0x1e: {  	s7 =	smul.u32 @!p0 $0xF7A, s2;
	p2 =	seq.s32 @!p0 s5, $0x0  }
0x1f: {  	s9 =	smul.u32 $0xF7A, s1;
	s8 =	simm.s32 @!p0 $0x1BF5;
	p2 =	por !p2, p0  }
0x20: {  	[sflag:s8] =	ssyncset.s32 @!p0 $0xFFFFF086;
	s6 =	sadd.s32 @!p0 s3, s7;
	s7 =	simm.s32 @!p0 $0x108  }
0x21: {  	s3 =	sadd.s32 s3, s9;
	s6 =	sadd.s32 @!p0 $0x88, s6;
	s7 =	simm.s32 @p2 $0x1082  }
0x22: {  	[simem:s7], [sflag:s8] =	dma.local @!p0 [hbm:s6], $0xF7A  }
0x23: {  	s9 =	sor.u32 $0xD0000000, s2;
	s6 =	simm.s32 $0x108;
	_ =	swait.ge @!p0 [sflag:s8], $0x0  }
0x24: {  	s3 =	sadd.s32 $0x88, s3;
	s6 =	simm.s32 @!p1 $0x1082;
	[sflag:s4] =	ssyncset.s32 $0xFFFFF086  }
0x25: {  	[simem:s6], [sflag:s4] =	dma.local [hbm:s3], $0xF7A  }
0x26: {  	[smem:$0x3F75] =	sst s1;
	(tag) =	ssettag s2;
	_ =	strace s9  }
0x27: {  	s1 =	sld [smem:$0x3F85]  }
0x28: {  	s2 =	sld [smem:$0x3F86]  }
0x29: {  	s4 =	sld [smem:$0x3F88]  }
0x2a: {  	p0 =	seq.s32 s5, $0x0;
	s5 =	sld [smem:$0x3F89]  }
0x2b: {  	s6 =	sld [smem:$0x3F8A]  }
0x2c: {  	s7 =	sld [smem:$0x3F8B]  }
0x2d: {  	s3 =	simm.s32 $0x108;
	s8 =	sld [smem:$0x3F8C]  }
0x2e: {  	s3 =	simm.s32 @!p0 $0x1082;
	s9 =	sld [smem:$0x3F8D]  }
0x2f: {  	lr =	sadd.s32 s0, s3;
	s0 =	sld [smem:$0x3F84]  }
0x30: {  	s3 =	sld [smem:$0x3F87]  }
0x31: {  	[smem:$0x3F90] =	sst s10  }
0x32: {  	s10 =	sld [smem:$0x3F8E];
	_ =	sdelay $0x3  }
0x33: {  	p0 =	seq.s32 s10, $0x1;
	s10 =	sld [smem:$0x3F90];
	_ =	sdelay $0x3  }
0x34: {  	[smem:$0x3F90] =	sst s10  }
0x35: {  	s10 =	sld [smem:$0x3F8F];
	_ =	sdelay $0x3  }
0x36: {  	p1 =	seq.s32 s10, $0x1;
	s10 =	sld [smem:$0x3F90];
	_ =	sdelay $0x3  }
0x37: {  	[smem:$0x3F90] =	sst s10  }
0x38: {  	s10 =	sld [smem:$0x3F91]  }
0x39: {  	_ = 	snop;
	(pc) =	sbr.ind lr, $3  }
0x3a: {  	_ = 	snop  }
0x3b: {  	_ = 	snop  }
0x3c: {  	p2 =	seq.s32 s10, $0x1;
	s10 =	sld [smem:$0x3F90]  }
0x3d: {  	_ =	shalt  }
0x3e: {  	_ =	shalt  }
0x3f: {  	_ =	shalt  }
0x40: {  	_ =	shalt  }
0x41: {  	_ =	shalt  }
0x42: {  	_ =	shalt  }
0x43: {  	_ =	shalt  }
0x44: {  	_ =	shalt  }
0x45: {  	_ =	shalt  }
0x46: {  	_ =	shalt  }
0x47: {  	_ =	shalt  }
0x48: {  	_ =	shalt  }
0x49: {  	_ =	shalt  }
0x4a: {  	_ =	shalt  }
0x4b: {  	_ =	shalt  }
0x4c: {  	_ =	shalt  }
0x4d: {  	_ =	shalt  }
0x4e: {  	_ =	shalt  }
0x4f: {  	_ =	shalt  }
0x50: {  	_ =	shalt  }
0x51: {  	_ =	shalt  }
0x52: {  	_ =	shalt  }
0x53: {  	_ =	shalt  }
0x54: {  	_ =	shalt  }
0x55: {  	_ =	shalt  }
0x56: {  	_ =	shalt  }
0x57: {  	_ =	shalt  }
0x58: {  	_ =	shalt  }
0x59: {  	_ =	shalt  }
0x5a: {  	_ =	shalt  }
0x5b: {  	_ =	shalt  }
0x5c: {  	_ =	shalt  }
0x5d: {  	_ =	shalt  }
0x5e: {  	_ =	shalt  }
0x5f: {  	_ =	shalt  }
0x60: {  	_ =	shalt  }
0x61: {  	_ =	shalt  }
0x62: {  	_ =	shalt  }
0x63: {  	_ =	shalt  }
0x64: {  	_ =	shalt  }
0x65: {  	_ =	shalt  }
0x66: {  	_ =	shalt  }
0x67: {  	_ =	shalt  }
0x68: {  	_ =	shalt  }
0x69: {  	_ =	shalt  }
0x6a: {  	_ =	shalt  }
0x6b: {  	_ =	shalt  }
0x6c: {  	_ =	shalt  }
0x6d: {  	_ =	shalt  }
0x6e: {  	_ =	shalt  }
0x6f: {  	_ =	shalt  }
0x70: {  	_ =	shalt  }
0x71: {  	_ =	shalt  }
0x72: {  	_ =	shalt  }
0x73: {  	_ =	shalt  }
0x74: {  	_ =	shalt  }
0x75: {  	_ =	shalt  }
0x76: {  	_ =	shalt  }
0x77: {  	_ =	shalt  }
0x78: {  	_ =	shalt  }
0x79: {  	_ =	shalt  }
0x7a: {  	_ =	shalt  }
0x7b: {  	_ =	shalt  }
0x7c: {  	_ =	shalt  }
0x7d: {  	_ =	shalt  }
0x7e: {  	_ =	shalt  }
0x7f: {  	_ =	shalt  }
0x80: {  	_ =	shalt  }
0x81: {  	_ =	shalt  }
0x82: {  	_ =	shalt  }
0x83: {  	_ =	shalt  }
0x84: {  	_ =	shalt  }
0x85: {  	_ =	shalt  }
0x86: {  	_ =	shalt  }
0x87: {  	_ =	shalt  }
.Lfunc_end0:
.L_simem_size_0:
called_computation_lowered:
.L_overlay_start_0:
0x88: {  	s2 =	sld [smem:$0x3FD9]  }
0x89: {  	s3 =	sld [smem:$0x3FFE];
	_ =	sdelay $0x1  }
0x8a: {  	s1 =	srdreg.scid  }
0x8b: {  	s0 =	sand.u32 $0x1, s1  }
0x8c: {  	s16 =	sshll.u32 s0, $0xA;
	s2 =	sadd.s32 s3, s2  }
0x8d: {  	s2 =	sadd.s32 s2, s16  }
0x8e: {  	[smem:$0x3F9C] =	sst s2  }
0x8f: {  	_ = 	snop  }
0x90: {  	(tm) =	ssettm $0x1  }
0x91: {  	s17 =	sld [smem:$0x3FFB];
	_ =	sdelay $0x3  }
0x92: {  	_ =	strace s17  }
0x93: {  	s2 =	sld [smem:$0x3FFC];
	_ =	sdelay $0x3  }
0x94: {  	_ =	strace s2  }
0x95: {  	s2 =	sld [smem:$0x3FFD];
	_ =	sdelay $0x3  }
0x96: {  	_ =	strace s2  }
0x97: {  	_ =	strace $0x8FFFFFFF  }
0x98: {  	s18 =	sld [smem:$0x3FDB];
	_ =	sdelay $0x1  }
0x99: {  	s19 =	simm.s32 $_scs_section_size  }
0x9a: {  	s4 =	simm.s32 $_size__tile_overlayer_lowered;
	s5 =	simm.s32 $_tile_overlayer_lowered  }
0x9b: {  	s22 =	simm.s32 $0x1BFF;
	s21 =	sshll.u32 s5, $0x1;
	s2 =	sadd.s32 s19, s18  }
0x9c: {  	s6 =	simm.s32 $0x0;
	s20 =	sshll.u32 s4, $0x1;
	s4 =	sadd.s32 s21, s2  }
0x9d: {  	[timem:s6], [sflag:s22] =	dma.local [hbm:s4], s20  }
0x9e: {  	_ =	swait.ge [sflag:s22], s20  }
0x9f: {  	s3 =	ssub.s32 $0x0, s20;
	[sflag:s22] =	ssyncset.done $0x0  }
0xa0: {  	[sflag:s22] =	ssyncadd.s32 s3;
	_ =	sdelay $0x1  }
0xa1: {  	s23 =	simm.s32 $0x1B8B  }
0xa2: {  	_ =	swait.ge [sflag:s23], $0x1  }
0xa3: {  	[sflag:s23] =	ssyncset.done $0x0  }
0xa4: {  	s25 =	simm.s32 $0x1B8E;
	s24 =	sld [smem:$0x3FFE];
	[sflag:s23] =	ssyncadd.s32 $0xFFFFFFFF  }
0xa5: {  	s26 =	simm.s32 $execute0_lowered;
	[smem:$0x3FD2] =	sst s25  }
0xa6: {  	s4 =	sshll.u32 s26, $0x1;
	_ =	strace $0x80000046;
	[dreg:$0x1] =	wrdreg $0xFFFFFFFF  }
0xa7: {  	s28 =	simm.s32 $_size_execute0_lowered;
	s2 =	sadd.s32 s2, s4;
	[dreg:$0x0] =	wrdreg $0x0  }
0xa8: {  	s4 =	sshll.u32 s28, $0x1;
	[dreg:$0x2] =	wrdreg s2  }
0xa9: {  	[dreg:$0x3] =	wrdreg s4  }
0xaa: {  	[dreg:$0x4] =	wrdreg $0xC0  }
0xab: {  	_ =	task [dreg:s6], $0x5FFFF  }
0xac: {  	[dreg:$0x1] =	wrdreg $0xFFFFFFFF  }
0xad: {  	[dreg:$0x0] =	wrdreg $0x60  }
0xae: {  	[dreg:$0x2] =	wrdreg s24  }
0xaf: {  	[dreg:$0x3] =	wrdreg $0x120000  }
0xb0: {  	[dreg:$0x4] =	wrdreg $0x9  }
0xb1: {  	_ =	task.clear_ibuf [dreg:s6], $0x5FFFF;
	_ =	strace $0x90000046  }
0xb2: {  	s29 =	simm.s32 $0x9;
	_ =	strace $0x80000048  }
0xb3: {  	_ =	swait.ge [sflag:s29], $0x1  }
0xb4: {  	[sflag:s29] =	ssyncadd.s32 $0xFFFFFFFF  }
0xb5: {  	_ =	strace $0x90000048  }
0xb6: {  	_ =	sfence  }
0xb7: {  	s30 =	sld [smem:$0x0];
	_ =	sdelay $0x2  }
0xb8: {  	s31 =	sshll.u32 s1, $0xD;
	s1 =	sshrl.u32 s1, $0x2  }
0xb9: {  	s3 =	sand.u32 $0x4000, s31;
	s1 =	sadd.s32 s1, s30  }
0xba: {  	s0 =	sor.u32 s3, s0;
	s1 =	sshll.u32 s1, $0x11  }
0xbb: {  	s0 =	sor.u32 s1, s0  }
0xbc: {  	s0 =	sadd.s32 $0x8F2B, s0  }
0xbd: {  	[sflag:s0] =	ssyncadd.remote.s32 $0x1  }
0xbe: {  	_ =	sfence.sel $0xFFFF  }
0xbf: {  	[dreg:$0x0] =	wrdreg $0xFFFFFFFF;
	(pc) =	sbr.abs _section_cstart, $3  }
0xc0: {  	[dreg:$0x1] =	wrdreg $0xFFFFFFFF  }
0xc1: {  	_ =	task.clear_ibuf [dreg:s6], $0x2FFFF;
	_ =	strace $0x9FFFFFFF  }
0xc2: {  	(tm) =	ssettm $0x7FFFFFFF  }
0xc3: {  	_ =	shalt  }
tec
execute0_lowered:
.L_overlay_start_1:
0x0: {  	(tag) =	ssettag $0x1  }
0x1: {  	s0 =	srdreg.scid;
	s7 =	rddreg [dreg:$0x0]  }
0x2: {  	s2 =	rddreg [dreg:$0x1];
	s6 =	sand.u32 $0x1, s0;
	s0 =	stileid.u32  }
0x3: {  	s3 =	simm.s32 $0x0;
	s18 =	simm.s32 $0x200;
	s8 =	smul.u32 $0xA00, s0  }
0x4: {  	s19 =	simm.s32 $0xA000;
	s20 =	simm.s32 $0x1;
	s9 =	smul.u32 $0xA000, s0  }
0x5: {  	s21 =	simm.s32 $0x0;
	[smem:$0x7FF] =	sst s3;
	s10 =	smul.u32 $0xA0000, s6  }
0x6: {  	s4 =	sadd.s32 $0x6000, s7;
	s1 =	sshll.u32 s6, $0x4;
	s12 =	smul.u32 $0x28000, s0  }
0x7: {  	s6 =	ssub.s32 $0x2, s6;
	s29 =	sshll.u32 s0, $0x6;
	s1 =	sor.u32 s0, s1  }
0x8: {  	s28 =	sshrl.u32 s6, $0x1;
	s5 =	smul.u32 $0xA00, s1;
	s1 =	rddreg [dreg:$0x2]  }
0x9: {  	_ =	strace $0x80000047;
	s8 =	sadd.s32 s8, s7;
	s10 =	sadd.s32 s9, s10  }
0xa: {  	s12 =	sshrl.u32 s12, $0x2;
	s13 =	ssub.s32 s6, s28;
	s31 =	sadd.s32 s9, s2  }
0xb: {  	s6 =	sor.u32 $0x1C02, s29;
	s10 =	sshrl.u32 s10, $0x3;
	s30 =	sadd.s32 s12, s2  }
0xc: {  	s8 =	sadd.s32 $0x41200, s8;
	s12 =	simm.s32 $0x2;
	s11 =	sadd.s32 s5, s7  }
0xd: {  	s5 =	sadd.s32 $0x4B200, s7;
	s10 =	sadd.s32 s10, s7;
	s14 =	sadd.s32 $0x2000, s30  }
0xe: {  	s15 =	sadd.s32 $0x4000, s30;
	s16 =	sadd.s32 $0x6000, s30;
	s17 =	sadd.s32 $0x8000, s30  }
0xf: {  	s7 =	sadd.s32 $0x2D200, s11;
	s9 =	sadd.s32 $0x4B600, s10;
	s10 =	smax.u32 s13, $0x1  }
0x10: {  	s11 =	sshrl.u32 s31, $0x3;
	s13 =	sshrl.u32 s14, $0x3;
	s14 =	sshrl.u32 s15, $0x3  }
0x11: {  	s15 =	sshrl.u32 s16, $0x3;
	s16 =	sshrl.u32 s17, $0x3;
	s17 =	simm.s32 $0x5000  }
.LBB2_1:
0x12: {  	[spmem:s11], [sflag:s6] =	dma.local [hbm:s5], $0x400  }
0x13: {  	_ =	swait.ge [sflag:s12], $0x400  }
0x14: {  	[sflag:s12] =	ssyncset.done $0x0  }
0x15: {  	[sflag:s12] =	ssyncadd.s32 $0xFFFFFC00  }
0x16: {  	[spmem:s13], [sflag:s6] =	dma.local [hbm:s5], $0x400  }
0x17: {  	_ =	swait.ge [sflag:s12], $0x400  }
0x18: {  	[sflag:s12] =	ssyncset.done $0x0  }
0x19: {  	[sflag:s12] =	ssyncadd.s32 $0xFFFFFC00  }
0x1a: {  	[spmem:s14], [sflag:s6] =	dma.local [hbm:s5], $0x400  }
0x1b: {  	_ =	swait.ge [sflag:s12], $0x400  }
0x1c: {  	[sflag:s12] =	ssyncset.done $0x0  }
0x1d: {  	[sflag:s12] =	ssyncadd.s32 $0xFFFFFC00  }
0x1e: {  	[spmem:s15], [sflag:s6] =	dma.local [hbm:s5], $0x400  }
0x1f: {  	_ =	swait.ge [sflag:s12], $0x400  }
0x20: {  	[sflag:s12] =	ssyncset.done $0x0  }
0x21: {  	[sflag:s12] =	ssyncadd.s32 $0xFFFFFC00  }
0x22: {  	[spmem:s16], [sflag:s6] =	dma.local [hbm:s5], $0x400  }
0x23: {  	_ =	swait.ge [sflag:s12], $0x400  }
0x24: {  	[sflag:s12] =	ssyncset.done $0x0  }
0x25: {  	[sflag:s12] =	ssyncadd.s32 $0xFFFFFC00  }
0x26: {  	[tilespmem:s3], [sflag:$0x2] =	stream.linear.gather [hbm4b:s7+s3], $0x5000, $0x38;
	[tilespmem:$0x1C000] =	vst v63  }
0x27: {  	_ =	swait.ge [sflag:s12], $0x5000  }
0x28: {  	[sflag:s12] =	ssyncset.done $0x0  }
0x29: {  	[sflag:s12] =	ssyncadd.s32 $0xFFFFB000  }
0x2a: {  	[tilespmem:s17], [sflag:$0x2] =	stream.linear.gather [hbm4b:s8+s3], $0x5000, $0x38;
	[tilespmem:$0x1C000] =	vst v63  }
0x2b: {  	_ =	swait.ge [sflag:s12], $0x5000  }
0x2c: {  	[sflag:s12] =	ssyncset.done $0x0  }
0x2d: {  	[sflag:s12] =	ssyncadd.s32 $0xFFFFB000  }
0x2e: {  	s22 =	simm.s32 $0x0;
	[bflag:$0x0] =	sbarrier.arrive $0xFFFF  }
0x2f: {  	[tilespmem:s19], [sflag:$0x1] =	stream.indirect.gather [hbm4b:s4+s18], $0x40, s22, s18, $0xb8;
	[tilespmem:$0x1C000] =	vst v63  }
0x30: {  	_ =	swait.ge [sflag:s20], $0x8000  }
0x31: {  	[sflag:s20] =	ssyncset.done $0x0  }
0x32: {  	s31 =	simm.s32 $0x5000;
	[sflag:s20] =	ssyncadd.s32 $0xFFFF8000  }
0x33: {  	[spmem:s2] =	stream.indirect.scatter.add.f32 [tilespmem:s19], [sflag:$0x2], $0x40, s31, s18, $0xb8;
	[tilespmem:$0x1C000] =	vst v63  }
0x34: {  	_ =	swait.ge [sflag:s12], $0x8000  }
0x35: {  	s23 =	simm.s32 $0x1000;
	s22 =	simm.s32 $0x800;
	[sflag:s12] =	ssyncset.done $0x0  }
.LBB2_2:
0x36: {  	s24 =	sshra.s32 s22, $0x2  }
0x37: {  	[sflag:s12] =	ssyncadd.s32 $0xFFFF8000;
	s22 =	smov.u32 s23;
	s25 =	sadd.s32 $0x800, s23  }
0x38: {  	[tilespmem:s19], [sflag:$0x1] =	stream.indirect.gather [hbm4b:s4+s18], $0x40, s24, s18, $0xb8;
	[tilespmem:$0x1C000] =	vst v63  }
0x39: {  	p0 =	sne.s32 s23, $0x13800;
	_ =	swait.ge [sflag:s20], $0x8000  }
.Ltmp0:
0x3a: {  	[sflag:s20] =	ssyncset.done $0x0;
	(pc) =	sbr.rel @p0 .LBB2_2-.Ltmp0, $4  }
0x3b: {  	s23 =	sadd.s32 $0x5000, s24;
	[sflag:s20] =	ssyncadd.s32 $0xFFFF8000  }
0x3c: {  	[spmem:s2] =	stream.indirect.scatter.add.f32 [tilespmem:s19], [sflag:$0x2], $0x40, s23, s18, $0xb8;
	[tilespmem:$0x1C000] =	vst v63  }
0x3d: {  	_ =	swait.ge [sflag:s12], $0x8000  }
0x3e: {  	s23 =	smov.u32 s25;
	[sflag:s12] =	ssyncset.done $0x0  }
0x3f: {  	s22 =	sshra.s32 s22, $0x2;
	[sflag:s12] =	ssyncadd.s32 $0xFFFF8000  }
0x40: {  	[tilespmem:s19], [sflag:$0x1] =	stream.indirect.gather [hbm4b:s4+s18], $0x40, s22, s18, $0xb8;
	[tilespmem:$0x1C000] =	vst v63  }
0x41: {  	_ =	swait.ge [sflag:s20], $0x8000  }
0x42: {  	[sflag:s20] =	ssyncset.done $0x0  }
0x43: {  	s22 =	sadd.s32 $0x5000, s22;
	[sflag:s20] =	ssyncadd.s32 $0xFFFF8000  }
0x44: {  	[spmem:s2] =	stream.indirect.scatter.add.f32 [tilespmem:s19], [sflag:$0x2], $0x40, s22, s18, $0xb8;
	[tilespmem:$0x1C000] =	vst v63  }
0x45: {  	_ =	swait.ge [sflag:s12], $0x8000  }
0x46: {  	s21 =	sadd.s32 $0x1, s21;
	[sflag:s12] =	ssyncset.done $0x0  }
0x47: {  	p0 =	sne.s32 s21, s10;
	[sflag:s12] =	ssyncadd.s32 $0xFFFF8000  }
.Ltmp1:
0x48: {  	[bflag:$0x0] =	sbarrier.arrive $0xFFFF;
	(pc) =	sbr.rel @p0 .LBB2_1-.Ltmp1, $4  }
0x49: {  	[hbm:s9], [sflag:s6] =	dma.local [spmem:s11], $0x1400  }
0x4a: {  	_ =	swait.ge [sflag:s12], $0x1400  }
0x4b: {  	[sflag:s12] =	ssyncset.done $0x0  }
0x4c: {  	[sflag:s12] =	ssyncadd.s32 $0xFFFFEC00  }
0x4d: {  	_ =	sfence.sel $0x180000  }
0x4e: {  	[bflag:$0x0] =	sbarrier.arrive $0xFFFF  }
0x4f: {  	p0 =	sne.s32 s0, $0x0;
	_ =	strace $0x90000047  }
0x50: {  	s0 =	sadd.s32 @!p0 $0x100000, s1;
	[bflag:$0x2] =	sbarrier.arrive $0xFFFF  }
0x51: {  	[sflag:s0] =	ssyncadd.tile.s32 @!p0 $0x1;
	_ =	shalt  }
.Lfunc_end2:
_tile_overlayer_lowered:
.L_overlay_start_2:
0x52: {  	(tag) =	ssettag $0x2  }
0x53: {  	s0 =	rddreg [dreg:$0x0];
	s2 =	stileid.u32  }
0x54: {  	s1 =	rddreg [dreg:$0x1];
	p0 =	sne.s32 s2, $0x0  }
0x55: {  	s3 =	rddreg [dreg:$0x2];
	[bflag:$0x3] =	sbarrier.arrive $0xFFFF;
	s2 =	simm.s32 @!p0 $0x1C02  }
0x56: {  	[timem:s3], [sflag:s2] =	dma.local @!p0 [hbm:s0], s1  }
0x57: {  	s0 =	simm.s32 @!p0 $0x2  }
0x58: {  	_ =	swait.ge @!p0 [sflag:s0], s1  }
0x59: {  	s1 =	ssub.s32 @!p0 $0x0, s1;
	[sflag:s0] =	ssyncset.done @!p0 $0x0  }
0x5a: {  	[sflag:s0] =	ssyncadd.s32 @!p0 s1  }
0x5b: {  	[bflag:$0x3] =	sbarrier.arrive $0xFFFF  }
0x5c: {  	_ =	shalt  }

// kernel: kernel.13.cloned.1.call-start
scs
__scs_entry_jumppad:
0x0: {  	(pc) =	sbr.rel $0x88, $3  }
0x1: {  	(tag) =	ssettag $0x0;
	lr =	simm.s32 $0x1  }
0x2: {  	[smem:$0x3F75] =	sst lr;
	_ =	strace $0xD0000000  }
0x3: {  	_ = 	snop  }
0x4: {  	_ = 	snop  }
0x5: {  	_ = 	snop  }
0x6: {  	_ = 	snop  }
0x7: {  	_ = 	snop  }
__scs_overlays_trampoline_lowered:
0x8: {  	[smem:$0x3F84] =	sst s0  }
0x9: {  	[smem:$0x3F85] =	sst s1  }
0xa: {  	[smem:$0x3F86] =	sst s2  }
0xb: {  	[smem:$0x3F87] =	sst s3  }
0xc: {  	[smem:$0x3F88] =	sst s4  }
0xd: {  	[smem:$0x3F89] =	sst s5  }
0xe: {  	[smem:$0x3F8A] =	sst s6  }
0xf: {  	[smem:$0x3F8B] =	sst s7  }
0x10: {  	[smem:$0x3F8C] =	sst s8  }
0x11: {  	[smem:$0x3F8D] =	sst s9;
	s0 =	simm.s32 @!p0 $0x0  }
0x12: {  	s1 =	sld [smem:$0x3F73];
	s0 =	simm.s32 @p0 $0x1  }
0x13: {  	[smem:$0x3F8E] =	sst s0;
	s0 =	simm.s32 @!p1 $0x0  }
0x14: {  	s2 =	sld [smem:$0x3F72];
	s0 =	simm.s32 @p1 $0x1  }
0x15: {  	[smem:$0x3F8F] =	sst s0;
	s0 =	simm.s32 @!p2 $0x0  }
0x16: {  	s3 =	sld [smem:$0x3FDB];
	s0 =	simm.s32 @p2 $0x1  }
0x17: {  	s4 =	simm.s32 $0x1BF5;
	[smem:$0x3F91] =	sst s0  }
0x18: {  	s0 =	sld [smem:$0x3F74];
	_ =	swait.ge [sflag:s4], $0x0  }
0x19: {  	s7 =	sld [smem:$0x3F75]  }
0x1a: {  	s8 =	sadd.s32 $0xFFFFE003, lr  }
0x1b: {  	s9 =	sadd.s32 $0xFFFFFEF7, lr;
	s5 =	simm.s32 $0xFFFFFFFF;
	p2 =	slt.u32 s8, $0xFFFFF086  }
0x1c: {  	p1 =	slt.u32 s9, $0xF7A;
	s5 =	simm.s32 @!p2 $0x0  }
0x1d: {  	s5 =	simm.s32 @p1 $0x1;
	p0 =	seq.s32 s7, s2  }
0x1e: {  	s7 =	smul.u32 @!p0 $0xF7A, s2;
	p2 =	seq.s32 @!p0 s5, $0x0  }
0x1f: {  	s9 =	smul.u32 $0xF7A, s1;
	s8 =	simm.s32 @!p0 $0x1BF5;
	p2 =	por !p2, p0  }
0x20: {  	[sflag:s8] =	ssyncset.s32 @!p0 $0xFFFFF086;
	s6 =	sadd.s32 @!p0 s3, s7;
	s7 =	simm.s32 @!p0 $0x108  }
0x21: {  	s3 =	sadd.s32 s3, s9;
	s6 =	sadd.s32 @!p0 $0x88, s6;
	s7 =	simm.s32 @p2 $0x1082  }
0x22: {  	[simem:s7], [sflag:s8] =	dma.local @!p0 [hbm:s6], $0xF7A  }
0x23: {  	s9 =	sor.u32 $0xD0000000, s2;
	s6 =	simm.s32 $0x108;
	_ =	swait.ge @!p0 [sflag:s8], $0x0  }
0x24: {  	s3 =	sadd.s32 $0x88, s3;
	s6 =	simm.s32 @!p1 $0x1082;
	[sflag:s4] =	ssyncset.s32 $0xFFFFF086  }
0x25: {  	[simem:s6], [sflag:s4] =	dma.local [hbm:s3], $0xF7A  }
0x26: {  	[smem:$0x3F75] =	sst s1;
	(tag) =	ssettag s2;
	_ =	strace s9  }
0x27: {  	s1 =	sld [smem:$0x3F85]  }
0x28: {  	s2 =	sld [smem:$0x3F86]  }
0x29: {  	s4 =	sld [smem:$0x3F88]  }
0x2a: {  	p0 =	seq.s32 s5, $0x0;
	s5 =	sld [smem:$0x3F89]  }
0x2b: {  	s6 =	sld [smem:$0x3F8A]  }
0x2c: {  	s7 =	sld [smem:$0x3F8B]  }
0x2d: {  	s3 =	simm.s32 $0x108;
	s8 =	sld [smem:$0x3F8C]  }
0x2e: {  	s3 =	simm.s32 @!p0 $0x1082;
	s9 =	sld [smem:$0x3F8D]  }
0x2f: {  	lr =	sadd.s32 s0, s3;
	s0 =	sld [smem:$0x3F84]  }
0x30: {  	s3 =	sld [smem:$0x3F87]  }
0x31: {  	[smem:$0x3F90] =	sst s10  }
0x32: {  	s10 =	sld [smem:$0x3F8E];
	_ =	sdelay $0x3  }
0x33: {  	p0 =	seq.s32 s10, $0x1;
	s10 =	sld [smem:$0x3F90];
	_ =	sdelay $0x3  }
0x34: {  	[smem:$0x3F90] =	sst s10  }
0x35: {  	s10 =	sld [smem:$0x3F8F];
	_ =	sdelay $0x3  }
0x36: {  	p1 =	seq.s32 s10, $0x1;
	s10 =	sld [smem:$0x3F90];
	_ =	sdelay $0x3  }
0x37: {  	[smem:$0x3F90] =	sst s10  }
0x38: {  	s10 =	sld [smem:$0x3F91]  }
0x39: {  	_ = 	snop;
	(pc) =	sbr.ind lr, $3  }
0x3a: {  	_ = 	snop  }
0x3b: {  	_ = 	snop  }
0x3c: {  	p2 =	seq.s32 s10, $0x1;
	s10 =	sld [smem:$0x3F90]  }
0x3d: {  	_ =	shalt  }
0x3e: {  	_ =	shalt  }
0x3f: {  	_ =	shalt  }
0x40: {  	_ =	shalt  }
0x41: {  	_ =	shalt  }
0x42: {  	_ =	shalt  }
0x43: {  	_ =	shalt  }
0x44: {  	_ =	shalt  }
0x45: {  	_ =	shalt  }
0x46: {  	_ =	shalt  }
0x47: {  	_ =	shalt  }
0x48: {  	_ =	shalt  }
0x49: {  	_ =	shalt  }
0x4a: {  	_ =	shalt  }
0x4b: {  	_ =	shalt  }
0x4c: {  	_ =	shalt  }
0x4d: {  	_ =	shalt  }
0x4e: {  	_ =	shalt  }
0x4f: {  	_ =	shalt  }
0x50: {  	_ =	shalt  }
0x51: {  	_ =	shalt  }
0x52: {  	_ =	shalt  }
0x53: {  	_ =	shalt  }
0x54: {  	_ =	shalt  }
0x55: {  	_ =	shalt  }
0x56: {  	_ =	shalt  }
0x57: {  	_ =	shalt  }
0x58: {  	_ =	shalt  }
0x59: {  	_ =	shalt  }
0x5a: {  	_ =	shalt  }
0x5b: {  	_ =	shalt  }
0x5c: {  	_ =	shalt  }
0x5d: {  	_ =	shalt  }
0x5e: {  	_ =	shalt  }
0x5f: {  	_ =	shalt  }
0x60: {  	_ =	shalt  }
0x61: {  	_ =	shalt  }
0x62: {  	_ =	shalt  }
0x63: {  	_ =	shalt  }
0x64: {  	_ =	shalt  }
0x65: {  	_ =	shalt  }
0x66: {  	_ =	shalt  }
0x67: {  	_ =	shalt  }
0x68: {  	_ =	shalt  }
0x69: {  	_ =	shalt  }
0x6a: {  	_ =	shalt  }
0x6b: {  	_ =	shalt  }
0x6c: {  	_ =	shalt  }
0x6d: {  	_ =	shalt  }
0x6e: {  	_ =	shalt  }
0x6f: {  	_ =	shalt  }
0x70: {  	_ =	shalt  }
0x71: {  	_ =	shalt  }
0x72: {  	_ =	shalt  }
0x73: {  	_ =	shalt  }
0x74: {  	_ =	shalt  }
0x75: {  	_ =	shalt  }
0x76: {  	_ =	shalt  }
0x77: {  	_ =	shalt  }
0x78: {  	_ =	shalt  }
0x79: {  	_ =	shalt  }
0x7a: {  	_ =	shalt  }
0x7b: {  	_ =	shalt  }
0x7c: {  	_ =	shalt  }
0x7d: {  	_ =	shalt  }
0x7e: {  	_ =	shalt  }
0x7f: {  	_ =	shalt  }
0x80: {  	_ =	shalt  }
0x81: {  	_ =	shalt  }
0x82: {  	_ =	shalt  }
0x83: {  	_ =	shalt  }
0x84: {  	_ =	shalt  }
0x85: {  	_ =	shalt  }
0x86: {  	_ =	shalt  }
0x87: {  	_ =	shalt  }
.Lfunc_end0:
.L_simem_size_0:
called_computation.1_lowered:
.L_overlay_start_0:
0x88: {  	s2 =	sld [smem:$0x3FD9]  }
0x89: {  	s3 =	sld [smem:$0x3FFE];
	_ =	sdelay $0x1  }
0x8a: {  	s1 =	srdreg.scid  }
0x8b: {  	s0 =	sand.u32 $0x1, s1  }
0x8c: {  	s16 =	sshll.u32 s0, $0xA;
	s2 =	sadd.s32 s3, s2  }
0x8d: {  	s2 =	sadd.s32 s2, s16  }
0x8e: {  	[smem:$0x3F9C] =	sst s2  }
0x8f: {  	_ = 	snop  }
0x90: {  	(tm) =	ssettm $0x1  }
0x91: {  	s17 =	sld [smem:$0x3FFB];
	_ =	sdelay $0x3  }
0x92: {  	_ =	strace s17  }
0x93: {  	s2 =	sld [smem:$0x3FFC];
	_ =	sdelay $0x3  }
0x94: {  	_ =	strace s2  }
0x95: {  	s2 =	sld [smem:$0x3FFD];
	_ =	sdelay $0x3  }
0x96: {  	_ =	strace s2  }
0x97: {  	_ =	strace $0x8FFFFFFF  }
0x98: {  	s18 =	sld [smem:$0x3FDB];
	_ =	sdelay $0x1  }
0x99: {  	s19 =	simm.s32 $_scs_section_size  }
0x9a: {  	s4 =	simm.s32 $_size__tile_overlayer_lowered;
	s5 =	simm.s32 $_tile_overlayer_lowered  }
0x9b: {  	s22 =	simm.s32 $0x1BFF;
	s21 =	sshll.u32 s5, $0x1;
	s2 =	sadd.s32 s19, s18  }
0x9c: {  	s6 =	simm.s32 $0x0;
	s20 =	sshll.u32 s4, $0x1;
	s4 =	sadd.s32 s21, s2  }
0x9d: {  	[timem:s6], [sflag:s22] =	dma.local [hbm:s4], s20  }
0x9e: {  	_ =	swait.ge [sflag:s22], s20  }
0x9f: {  	s3 =	ssub.s32 $0x0, s20;
	[sflag:s22] =	ssyncset.done $0x0  }
0xa0: {  	[sflag:s22] =	ssyncadd.s32 s3;
	_ =	sdelay $0x1  }
0xa1: {  	s23 =	simm.s32 $0x1B8B  }
0xa2: {  	_ =	swait.ge [sflag:s23], $0x1  }
0xa3: {  	[sflag:s23] =	ssyncset.done $0x0  }
0xa4: {  	s25 =	simm.s32 $0x1B8E;
	s24 =	sld [smem:$0x3FFE];
	[sflag:s23] =	ssyncadd.s32 $0xFFFFFFFF  }
0xa5: {  	s26 =	simm.s32 $execute0_lowered;
	[smem:$0x3FD2] =	sst s25  }
0xa6: {  	s4 =	sshll.u32 s26, $0x1;
	_ =	strace $0x80000049;
	[dreg:$0x1] =	wrdreg $0xFFFFFFFF  }
0xa7: {  	s28 =	simm.s32 $_size_execute0_lowered;
	s2 =	sadd.s32 s2, s4;
	[dreg:$0x0] =	wrdreg $0x0  }
0xa8: {  	s4 =	sshll.u32 s28, $0x1;
	[dreg:$0x2] =	wrdreg s2  }
0xa9: {  	[dreg:$0x3] =	wrdreg s4  }
0xaa: {  	[dreg:$0x4] =	wrdreg $0xC0  }
0xab: {  	_ =	task [dreg:s6], $0x5FFFF  }
0xac: {  	[dreg:$0x1] =	wrdreg $0xFFFFFFFF  }
0xad: {  	[dreg:$0x0] =	wrdreg $0x60  }
0xae: {  	[dreg:$0x2] =	wrdreg s24  }
0xaf: {  	[dreg:$0x3] =	wrdreg $0xE0000  }
0xb0: {  	[dreg:$0x4] =	wrdreg $0x9  }
0xb1: {  	_ =	task.clear_ibuf [dreg:s6], $0x5FFFF;
	_ =	strace $0x90000049  }
0xb2: {  	s29 =	simm.s32 $0x9;
	_ =	strace $0x8000004B  }
0xb3: {  	_ =	swait.ge [sflag:s29], $0x1  }
0xb4: {  	[sflag:s29] =	ssyncadd.s32 $0xFFFFFFFF  }
0xb5: {  	_ =	strace $0x9000004B  }
0xb6: {  	_ =	sfence  }
0xb7: {  	s30 =	sld [smem:$0x0];
	_ =	sdelay $0x2  }
0xb8: {  	s31 =	sshll.u32 s1, $0xD;
	s1 =	sshrl.u32 s1, $0x2  }
0xb9: {  	s3 =	sand.u32 $0x4000, s31;
	s1 =	sadd.s32 s1, s30  }
0xba: {  	s0 =	sor.u32 s3, s0;
	s1 =	sshll.u32 s1, $0x11  }
0xbb: {  	s0 =	sor.u32 s1, s0  }
0xbc: {  	s0 =	sadd.s32 $0x8F2B, s0  }
0xbd: {  	[sflag:s0] =	ssyncadd.remote.s32 $0x1  }
0xbe: {  	_ =	sfence.sel $0xFFFF  }
0xbf: {  	[dreg:$0x0] =	wrdreg $0xFFFFFFFF;
	(pc) =	sbr.abs _section_cstart, $3  }
0xc0: {  	[dreg:$0x1] =	wrdreg $0xFFFFFFFF  }
0xc1: {  	_ =	task.clear_ibuf [dreg:s6], $0x2FFFF;
	_ =	strace $0x9FFFFFFF  }
0xc2: {  	(tm) =	ssettm $0x7FFFFFFF  }
0xc3: {  	_ =	shalt  }
tec
execute0_lowered:
.L_overlay_start_1:
0x0: {  	(tag) =	ssettag $0x1  }
0x1: {  	s0 =	srdreg.scid;
	s7 =	rddreg [dreg:$0x0]  }
0x2: {  	s2 =	rddreg [dreg:$0x1];
	s6 =	sand.u32 $0x1, s0;
	s0 =	stileid.u32  }
0x3: {  	s3 =	simm.s32 $0x0;
	s18 =	simm.s32 $0x200;
	s8 =	smul.u32 $0xA00, s0  }
0x4: {  	s19 =	simm.s32 $0xA000;
	s20 =	simm.s32 $0x1;
	s9 =	smul.u32 $0x5000, s0  }
0x5: {  	s21 =	simm.s32 $0x0;
	[smem:$0x7FF] =	sst s3;
	s10 =	smul.u32 $0x50000, s6  }
0x6: {  	s4 =	sadd.s32 $0x6000, s7;
	s1 =	sshll.u32 s6, $0x4;
	s12 =	smul.u32 $0x14000, s0  }
0x7: {  	s6 =	ssub.s32 $0x2, s6;
	s29 =	sshll.u32 s0, $0x6;
	s1 =	sor.u32 s0, s1  }
0x8: {  	s28 =	sshrl.u32 s6, $0x1;
	s5 =	smul.u32 $0xA00, s1;
	s1 =	rddreg [dreg:$0x2]  }
0x9: {  	_ =	strace $0x8000004A;
	s8 =	sadd.s32 s8, s7;
	s10 =	sadd.s32 s9, s10  }
0xa: {  	s12 =	sshrl.u32 s12, $0x2;
	s13 =	ssub.s32 s6, s28;
	s31 =	sadd.s32 s9, s2  }
0xb: {  	s6 =	sor.u32 $0x1C02, s29;
	s10 =	sshrl.u32 s10, $0x3;
	s30 =	sadd.s32 s12, s2  }
0xc: {  	s8 =	sadd.s32 $0x41200, s8;
	s12 =	simm.s32 $0x2;
	s11 =	sadd.s32 s5, s7  }
0xd: {  	s5 =	sadd.s32 $0x19A00, s7;
	s10 =	sadd.s32 s10, s7;
	s14 =	sadd.s32 $0x1000, s30  }
0xe: {  	s15 =	sadd.s32 $0x2000, s30;
	s16 =	sadd.s32 $0x3000, s30;
	s17 =	sadd.s32 $0x4000, s30  }
0xf: {  	s7 =	sadd.s32 $0x2D200, s11;
	s9 =	sadd.s32 $0x4B200, s10;
	s10 =	smax.u32 s13, $0x1  }
0x10: {  	s11 =	sshrl.u32 s31, $0x3;
	s13 =	sshrl.u32 s14, $0x3;
	s14 =	sshrl.u32 s15, $0x3  }
0x11: {  	s15 =	sshrl.u32 s16, $0x3;
	s16 =	sshrl.u32 s17, $0x3;
	s17 =	simm.s32 $0x5000  }
.LBB2_1:
0x12: {  	[spmem:s11], [sflag:s6] =	dma.local [hbm:s5], $0x200  }
0x13: {  	_ =	swait.ge [sflag:s12], $0x200  }
0x14: {  	[sflag:s12] =	ssyncset.done $0x0  }
0x15: {  	[sflag:s12] =	ssyncadd.s32 $0xFFFFFE00  }
0x16: {  	[spmem:s13], [sflag:s6] =	dma.local [hbm:s5], $0x200  }
0x17: {  	_ =	swait.ge [sflag:s12], $0x200  }
0x18: {  	[sflag:s12] =	ssyncset.done $0x0  }
0x19: {  	[sflag:s12] =	ssyncadd.s32 $0xFFFFFE00  }
0x1a: {  	[spmem:s14], [sflag:s6] =	dma.local [hbm:s5], $0x200  }
0x1b: {  	_ =	swait.ge [sflag:s12], $0x200  }
0x1c: {  	[sflag:s12] =	ssyncset.done $0x0  }
0x1d: {  	[sflag:s12] =	ssyncadd.s32 $0xFFFFFE00  }
0x1e: {  	[spmem:s15], [sflag:s6] =	dma.local [hbm:s5], $0x200  }
0x1f: {  	_ =	swait.ge [sflag:s12], $0x200  }
0x20: {  	[sflag:s12] =	ssyncset.done $0x0  }
0x21: {  	[sflag:s12] =	ssyncadd.s32 $0xFFFFFE00  }
0x22: {  	[spmem:s16], [sflag:s6] =	dma.local [hbm:s5], $0x200  }
0x23: {  	_ =	swait.ge [sflag:s12], $0x200  }
0x24: {  	[sflag:s12] =	ssyncset.done $0x0  }
0x25: {  	[sflag:s12] =	ssyncadd.s32 $0xFFFFFE00  }
0x26: {  	[tilespmem:s3], [sflag:$0x2] =	stream.linear.gather [hbm4b:s7+s3], $0x5000, $0x38;
	[tilespmem:$0x13000] =	vst v63  }
0x27: {  	_ =	swait.ge [sflag:s12], $0x5000  }
0x28: {  	[sflag:s12] =	ssyncset.done $0x0  }
0x29: {  	[sflag:s12] =	ssyncadd.s32 $0xFFFFB000  }
0x2a: {  	[tilespmem:s17], [sflag:$0x2] =	stream.linear.gather [hbm4b:s8+s3], $0x5000, $0x38;
	[tilespmem:$0x13000] =	vst v63  }
0x2b: {  	_ =	swait.ge [sflag:s12], $0x5000  }
0x2c: {  	[sflag:s12] =	ssyncset.done $0x0  }
0x2d: {  	[sflag:s12] =	ssyncadd.s32 $0xFFFFB000  }
0x2e: {  	s22 =	simm.s32 $0x0;
	[bflag:$0x0] =	sbarrier.arrive $0xFFFF  }
0x2f: {  	[tilespmem:s19], [sflag:$0x1] =	stream.indirect.gather [hbm4b:s4+s18], $0x20, s22, s18, $0xb8;
	[tilespmem:$0x13000] =	vst v63  }
0x30: {  	_ =	swait.ge [sflag:s20], $0x4000  }
0x31: {  	[sflag:s20] =	ssyncset.done $0x0  }
0x32: {  	s31 =	simm.s32 $0x5000;
	[sflag:s20] =	ssyncadd.s32 $0xFFFFC000  }
0x33: {  	[spmem:s2] =	stream.indirect.scatter.add.f32 [tilespmem:s19], [sflag:$0x2], $0x20, s31, s18, $0xb8;
	[tilespmem:$0x13000] =	vst v63  }
0x34: {  	_ =	swait.ge [sflag:s12], $0x4000  }
0x35: {  	s23 =	simm.s32 $0x1000;
	s22 =	simm.s32 $0x800;
	[sflag:s12] =	ssyncset.done $0x0  }
.LBB2_2:
0x36: {  	s24 =	sshra.s32 s22, $0x2  }
0x37: {  	[sflag:s12] =	ssyncadd.s32 $0xFFFFC000;
	s22 =	smov.u32 s23;
	s25 =	sadd.s32 $0x800, s23  }
0x38: {  	[tilespmem:s19], [sflag:$0x1] =	stream.indirect.gather [hbm4b:s4+s18], $0x20, s24, s18, $0xb8;
	[tilespmem:$0x13000] =	vst v63  }
0x39: {  	p0 =	sne.s32 s23, $0x13800;
	_ =	swait.ge [sflag:s20], $0x4000  }
.Ltmp0:
0x3a: {  	[sflag:s20] =	ssyncset.done $0x0;
	(pc) =	sbr.rel @p0 .LBB2_2-.Ltmp0, $4  }
0x3b: {  	s23 =	sadd.s32 $0x5000, s24;
	[sflag:s20] =	ssyncadd.s32 $0xFFFFC000  }
0x3c: {  	[spmem:s2] =	stream.indirect.scatter.add.f32 [tilespmem:s19], [sflag:$0x2], $0x20, s23, s18, $0xb8;
	[tilespmem:$0x13000] =	vst v63  }
0x3d: {  	_ =	swait.ge [sflag:s12], $0x4000  }
0x3e: {  	s23 =	smov.u32 s25;
	[sflag:s12] =	ssyncset.done $0x0  }
0x3f: {  	s22 =	sshra.s32 s22, $0x2;
	[sflag:s12] =	ssyncadd.s32 $0xFFFFC000  }
0x40: {  	[tilespmem:s19], [sflag:$0x1] =	stream.indirect.gather [hbm4b:s4+s18], $0x20, s22, s18, $0xb8;
	[tilespmem:$0x13000] =	vst v63  }
0x41: {  	_ =	swait.ge [sflag:s20], $0x4000  }
0x42: {  	[sflag:s20] =	ssyncset.done $0x0  }
0x43: {  	s22 =	sadd.s32 $0x5000, s22;
	[sflag:s20] =	ssyncadd.s32 $0xFFFFC000  }
0x44: {  	[spmem:s2] =	stream.indirect.scatter.add.f32 [tilespmem:s19], [sflag:$0x2], $0x20, s22, s18, $0xb8;
	[tilespmem:$0x13000] =	vst v63  }
0x45: {  	_ =	swait.ge [sflag:s12], $0x4000  }
0x46: {  	s21 =	sadd.s32 $0x1, s21;
	[sflag:s12] =	ssyncset.done $0x0  }
0x47: {  	p0 =	sne.s32 s21, s10;
	[sflag:s12] =	ssyncadd.s32 $0xFFFFC000  }
.Ltmp1:
0x48: {  	[bflag:$0x0] =	sbarrier.arrive $0xFFFF;
	(pc) =	sbr.rel @p0 .LBB2_1-.Ltmp1, $4  }
0x49: {  	[hbm:s9], [sflag:s6] =	dma.local [spmem:s11], $0xA00  }
0x4a: {  	_ =	swait.ge [sflag:s12], $0xA00  }
0x4b: {  	[sflag:s12] =	ssyncset.done $0x0  }
0x4c: {  	[sflag:s12] =	ssyncadd.s32 $0xFFFFF600  }
0x4d: {  	_ =	sfence.sel $0x180000  }
0x4e: {  	[bflag:$0x0] =	sbarrier.arrive $0xFFFF  }
0x4f: {  	p0 =	sne.s32 s0, $0x0;
	_ =	strace $0x9000004A  }
0x50: {  	s0 =	sadd.s32 @!p0 $0x100000, s1;
	[bflag:$0x2] =	sbarrier.arrive $0xFFFF  }
0x51: {  	[sflag:s0] =	ssyncadd.tile.s32 @!p0 $0x1;
	_ =	shalt  }
.Lfunc_end2:
_tile_overlayer_lowered:
.L_overlay_start_2:
0x52: {  	(tag) =	ssettag $0x2  }
0x53: {  	s0 =	rddreg [dreg:$0x0];
	s2 =	stileid.u32  }
0x54: {  	s1 =	rddreg [dreg:$0x1];
	p0 =	sne.s32 s2, $0x0  }
0x55: {  	s3 =	rddreg [dreg:$0x2];
	[bflag:$0x3] =	sbarrier.arrive $0xFFFF;
	s2 =	simm.s32 @!p0 $0x1C02  }
0x56: {  	[timem:s3], [sflag:s2] =	dma.local @!p0 [hbm:s0], s1  }
0x57: {  	s0 =	simm.s32 @!p0 $0x2  }
0x58: {  	_ =	swait.ge @!p0 [sflag:s0], s1  }
0x59: {  	s1 =	ssub.s32 @!p0 $0x0, s1;
	[sflag:s0] =	ssyncset.done @!p0 $0x0  }
0x5a: {  	[sflag:s0] =	ssyncadd.s32 @!p0 s1  }
0x5b: {  	[bflag:$0x3] =	sbarrier.arrive $0xFFFF  }
0x5c: {  	_ =	shalt  }

// kernel: kernel.16.cloned.1.call-start
scs
__scs_entry_jumppad:
0x0: {  	(pc) =	sbr.rel $0x88, $3  }
0x1: {  	(tag) =	ssettag $0x0;
	lr =	simm.s32 $0x1  }
0x2: {  	[smem:$0x3F75] =	sst lr;
	_ =	strace $0xD0000000  }
0x3: {  	_ = 	snop  }
0x4: {  	_ = 	snop  }
0x5: {  	_ = 	snop  }
0x6: {  	_ = 	snop  }
0x7: {  	_ = 	snop  }
__scs_overlays_trampoline_lowered:
0x8: {  	[smem:$0x3F84] =	sst s0  }
0x9: {  	[smem:$0x3F85] =	sst s1  }
0xa: {  	[smem:$0x3F86] =	sst s2  }
0xb: {  	[smem:$0x3F87] =	sst s3  }
0xc: {  	[smem:$0x3F88] =	sst s4  }
0xd: {  	[smem:$0x3F89] =	sst s5  }
0xe: {  	[smem:$0x3F8A] =	sst s6  }
0xf: {  	[smem:$0x3F8B] =	sst s7  }
0x10: {  	[smem:$0x3F8C] =	sst s8  }
0x11: {  	[smem:$0x3F8D] =	sst s9;
	s0 =	simm.s32 @!p0 $0x0  }
0x12: {  	s1 =	sld [smem:$0x3F73];
	s0 =	simm.s32 @p0 $0x1  }
0x13: {  	[smem:$0x3F8E] =	sst s0;
	s0 =	simm.s32 @!p1 $0x0  }
0x14: {  	s2 =	sld [smem:$0x3F72];
	s0 =	simm.s32 @p1 $0x1  }
0x15: {  	[smem:$0x3F8F] =	sst s0;
	s0 =	simm.s32 @!p2 $0x0  }
0x16: {  	s3 =	sld [smem:$0x3FDB];
	s0 =	simm.s32 @p2 $0x1  }
0x17: {  	s4 =	simm.s32 $0x1BF5;
	[smem:$0x3F91] =	sst s0  }
0x18: {  	s0 =	sld [smem:$0x3F74];
	_ =	swait.ge [sflag:s4], $0x0  }
0x19: {  	s7 =	sld [smem:$0x3F75]  }
0x1a: {  	s8 =	sadd.s32 $0xFFFFE003, lr  }
0x1b: {  	s9 =	sadd.s32 $0xFFFFFEF7, lr;
	s5 =	simm.s32 $0xFFFFFFFF;
	p2 =	slt.u32 s8, $0xFFFFF086  }
0x1c: {  	p1 =	slt.u32 s9, $0xF7A;
	s5 =	simm.s32 @!p2 $0x0  }
0x1d: {  	s5 =	simm.s32 @p1 $0x1;
	p0 =	seq.s32 s7, s2  }
0x1e: {  	s7 =	smul.u32 @!p0 $0xF7A, s2;
	p2 =	seq.s32 @!p0 s5, $0x0  }
0x1f: {  	s9 =	smul.u32 $0xF7A, s1;
	s8 =	simm.s32 @!p0 $0x1BF5;
	p2 =	por !p2, p0  }
0x20: {  	[sflag:s8] =	ssyncset.s32 @!p0 $0xFFFFF086;
	s6 =	sadd.s32 @!p0 s3, s7;
	s7 =	simm.s32 @!p0 $0x108  }
0x21: {  	s3 =	sadd.s32 s3, s9;
	s6 =	sadd.s32 @!p0 $0x88, s6;
	s7 =	simm.s32 @p2 $0x1082  }
0x22: {  	[simem:s7], [sflag:s8] =	dma.local @!p0 [hbm:s6], $0xF7A  }
0x23: {  	s9 =	sor.u32 $0xD0000000, s2;
	s6 =	simm.s32 $0x108;
	_ =	swait.ge @!p0 [sflag:s8], $0x0  }
0x24: {  	s3 =	sadd.s32 $0x88, s3;
	s6 =	simm.s32 @!p1 $0x1082;
	[sflag:s4] =	ssyncset.s32 $0xFFFFF086  }
0x25: {  	[simem:s6], [sflag:s4] =	dma.local [hbm:s3], $0xF7A  }
0x26: {  	[smem:$0x3F75] =	sst s1;
	(tag) =	ssettag s2;
	_ =	strace s9  }
0x27: {  	s1 =	sld [smem:$0x3F85]  }
0x28: {  	s2 =	sld [smem:$0x3F86]  }
0x29: {  	s4 =	sld [smem:$0x3F88]  }
0x2a: {  	p0 =	seq.s32 s5, $0x0;
	s5 =	sld [smem:$0x3F89]  }
0x2b: {  	s6 =	sld [smem:$0x3F8A]  }
0x2c: {  	s7 =	sld [smem:$0x3F8B]  }
0x2d: {  	s3 =	simm.s32 $0x108;
	s8 =	sld [smem:$0x3F8C]  }
0x2e: {  	s3 =	simm.s32 @!p0 $0x1082;
	s9 =	sld [smem:$0x3F8D]  }
0x2f: {  	lr =	sadd.s32 s0, s3;
	s0 =	sld [smem:$0x3F84]  }
0x30: {  	s3 =	sld [smem:$0x3F87]  }
0x31: {  	[smem:$0x3F90] =	sst s10  }
0x32: {  	s10 =	sld [smem:$0x3F8E];
	_ =	sdelay $0x3  }
0x33: {  	p0 =	seq.s32 s10, $0x1;
	s10 =	sld [smem:$0x3F90];
	_ =	sdelay $0x3  }
0x34: {  	[smem:$0x3F90] =	sst s10  }
0x35: {  	s10 =	sld [smem:$0x3F8F];
	_ =	sdelay $0x3  }
0x36: {  	p1 =	seq.s32 s10, $0x1;
	s10 =	sld [smem:$0x3F90];
	_ =	sdelay $0x3  }
0x37: {  	[smem:$0x3F90] =	sst s10  }
0x38: {  	s10 =	sld [smem:$0x3F91]  }
0x39: {  	_ = 	snop;
	(pc) =	sbr.ind lr, $3  }
0x3a: {  	_ = 	snop  }
0x3b: {  	_ = 	snop  }
0x3c: {  	p2 =	seq.s32 s10, $0x1;
	s10 =	sld [smem:$0x3F90]  }
0x3d: {  	_ =	shalt  }
0x3e: {  	_ =	shalt  }
0x3f: {  	_ =	shalt  }
0x40: {  	_ =	shalt  }
0x41: {  	_ =	shalt  }
0x42: {  	_ =	shalt  }
0x43: {  	_ =	shalt  }
0x44: {  	_ =	shalt  }
0x45: {  	_ =	shalt  }
0x46: {  	_ =	shalt  }
0x47: {  	_ =	shalt  }
0x48: {  	_ =	shalt  }
0x49: {  	_ =	shalt  }
0x4a: {  	_ =	shalt  }
0x4b: {  	_ =	shalt  }
0x4c: {  	_ =	shalt  }
0x4d: {  	_ =	shalt  }
0x4e: {  	_ =	shalt  }
0x4f: {  	_ =	shalt  }
0x50: {  	_ =	shalt  }
0x51: {  	_ =	shalt  }
0x52: {  	_ =	shalt  }
0x53: {  	_ =	shalt  }
0x54: {  	_ =	shalt  }
0x55: {  	_ =	shalt  }
0x56: {  	_ =	shalt  }
0x57: {  	_ =	shalt  }
0x58: {  	_ =	shalt  }
0x59: {  	_ =	shalt  }
0x5a: {  	_ =	shalt  }
0x5b: {  	_ =	shalt  }
0x5c: {  	_ =	shalt  }
0x5d: {  	_ =	shalt  }
0x5e: {  	_ =	shalt  }
0x5f: {  	_ =	shalt  }
0x60: {  	_ =	shalt  }
0x61: {  	_ =	shalt  }
0x62: {  	_ =	shalt  }
0x63: {  	_ =	shalt  }
0x64: {  	_ =	shalt  }
0x65: {  	_ =	shalt  }
0x66: {  	_ =	shalt  }
0x67: {  	_ =	shalt  }
0x68: {  	_ =	shalt  }
0x69: {  	_ =	shalt  }
0x6a: {  	_ =	shalt  }
0x6b: {  	_ =	shalt  }
0x6c: {  	_ =	shalt  }
0x6d: {  	_ =	shalt  }
0x6e: {  	_ =	shalt  }
0x6f: {  	_ =	shalt  }
0x70: {  	_ =	shalt  }
0x71: {  	_ =	shalt  }
0x72: {  	_ =	shalt  }
0x73: {  	_ =	shalt  }
0x74: {  	_ =	shalt  }
0x75: {  	_ =	shalt  }
0x76: {  	_ =	shalt  }
0x77: {  	_ =	shalt  }
0x78: {  	_ =	shalt  }
0x79: {  	_ =	shalt  }
0x7a: {  	_ =	shalt  }
0x7b: {  	_ =	shalt  }
0x7c: {  	_ =	shalt  }
0x7d: {  	_ =	shalt  }
0x7e: {  	_ =	shalt  }
0x7f: {  	_ =	shalt  }
0x80: {  	_ =	shalt  }
0x81: {  	_ =	shalt  }
0x82: {  	_ =	shalt  }
0x83: {  	_ =	shalt  }
0x84: {  	_ =	shalt  }
0x85: {  	_ =	shalt  }
0x86: {  	_ =	shalt  }
0x87: {  	_ =	shalt  }
.Lfunc_end0:
.L_simem_size_0:
called_computation.2_lowered:
.L_overlay_start_0:
0x88: {  	s2 =	sld [smem:$0x3FD9]  }
0x89: {  	s3 =	sld [smem:$0x3FFE];
	_ =	sdelay $0x1  }
0x8a: {  	s1 =	srdreg.scid  }
0x8b: {  	s0 =	sand.u32 $0x1, s1  }
0x8c: {  	s16 =	sshll.u32 s0, $0xA;
	s2 =	sadd.s32 s3, s2  }
0x8d: {  	s2 =	sadd.s32 s2, s16  }
0x8e: {  	[smem:$0x3F9C] =	sst s2  }
0x8f: {  	_ = 	snop  }
0x90: {  	(tm) =	ssettm $0x1  }
0x91: {  	s17 =	sld [smem:$0x3FFB];
	_ =	sdelay $0x3  }
0x92: {  	_ =	strace s17  }
0x93: {  	s2 =	sld [smem:$0x3FFC];
	_ =	sdelay $0x3  }
0x94: {  	_ =	strace s2  }
0x95: {  	s2 =	sld [smem:$0x3FFD];
	_ =	sdelay $0x3  }
0x96: {  	_ =	strace s2  }
0x97: {  	_ =	strace $0x8FFFFFFF  }
0x98: {  	s18 =	sld [smem:$0x3FDB];
	_ =	sdelay $0x1  }
0x99: {  	s19 =	simm.s32 $_scs_section_size  }
0x9a: {  	s4 =	simm.s32 $_size__tile_overlayer_lowered;
	s5 =	simm.s32 $_tile_overlayer_lowered  }
0x9b: {  	s22 =	simm.s32 $0x1BFF;
	s21 =	sshll.u32 s5, $0x1;
	s2 =	sadd.s32 s19, s18  }
0x9c: {  	s6 =	simm.s32 $0x0;
	s20 =	sshll.u32 s4, $0x1;
	s4 =	sadd.s32 s21, s2  }
0x9d: {  	[timem:s6], [sflag:s22] =	dma.local [hbm:s4], s20  }
0x9e: {  	_ =	swait.ge [sflag:s22], s20  }
0x9f: {  	s3 =	ssub.s32 $0x0, s20;
	[sflag:s22] =	ssyncset.done $0x0  }
0xa0: {  	[sflag:s22] =	ssyncadd.s32 s3;
	_ =	sdelay $0x1  }
0xa1: {  	s23 =	simm.s32 $0x1B8B  }
0xa2: {  	_ =	swait.ge [sflag:s23], $0x1  }
0xa3: {  	[sflag:s23] =	ssyncset.done $0x0  }
0xa4: {  	s25 =	simm.s32 $0x1B8E;
	s24 =	sld [smem:$0x3FFE];
	[sflag:s23] =	ssyncadd.s32 $0xFFFFFFFF  }
0xa5: {  	s26 =	simm.s32 $execute0_lowered;
	[smem:$0x3FD2] =	sst s25  }
0xa6: {  	s4 =	sshll.u32 s26, $0x1;
	_ =	strace $0x8000004C;
	[dreg:$0x1] =	wrdreg $0xFFFFFFFF  }
0xa7: {  	s28 =	simm.s32 $_size_execute0_lowered;
	s2 =	sadd.s32 s2, s4;
	[dreg:$0x0] =	wrdreg $0x0  }
0xa8: {  	s4 =	sshll.u32 s28, $0x1;
	[dreg:$0x2] =	wrdreg s2  }
0xa9: {  	[dreg:$0x3] =	wrdreg s4  }
0xaa: {  	[dreg:$0x4] =	wrdreg $0xC0  }
0xab: {  	_ =	task [dreg:s6], $0x5FFFF  }
0xac: {  	[dreg:$0x1] =	wrdreg $0xFFFFFFFF  }
0xad: {  	[dreg:$0x0] =	wrdreg $0x60  }
0xae: {  	[dreg:$0x2] =	wrdreg s24  }
0xaf: {  	[dreg:$0x3] =	wrdreg $0xC0000  }
0xb0: {  	[dreg:$0x4] =	wrdreg $0x9  }
0xb1: {  	_ =	task.clear_ibuf [dreg:s6], $0x5FFFF;
	_ =	strace $0x9000004C  }
0xb2: {  	s29 =	simm.s32 $0x9;
	_ =	strace $0x8000004E  }
0xb3: {  	_ =	swait.ge [sflag:s29], $0x1  }
0xb4: {  	[sflag:s29] =	ssyncadd.s32 $0xFFFFFFFF  }
0xb5: {  	_ =	strace $0x9000004E  }
0xb6: {  	_ =	sfence  }
0xb7: {  	s30 =	sld [smem:$0x0];
	_ =	sdelay $0x2  }
0xb8: {  	s31 =	sshll.u32 s1, $0xD;
	s1 =	sshrl.u32 s1, $0x2  }
0xb9: {  	s3 =	sand.u32 $0x4000, s31;
	s1 =	sadd.s32 s1, s30  }
0xba: {  	s0 =	sor.u32 s3, s0;
	s1 =	sshll.u32 s1, $0x11  }
0xbb: {  	s0 =	sor.u32 s1, s0  }
0xbc: {  	s0 =	sadd.s32 $0x8F2B, s0  }
0xbd: {  	[sflag:s0] =	ssyncadd.remote.s32 $0x1  }
0xbe: {  	_ =	sfence.sel $0xFFFF  }
0xbf: {  	[dreg:$0x0] =	wrdreg $0xFFFFFFFF;
	(pc) =	sbr.abs _section_cstart, $3  }
0xc0: {  	[dreg:$0x1] =	wrdreg $0xFFFFFFFF  }
0xc1: {  	_ =	task.clear_ibuf [dreg:s6], $0x2FFFF;
	_ =	strace $0x9FFFFFFF  }
0xc2: {  	(tm) =	ssettm $0x7FFFFFFF  }
0xc3: {  	_ =	shalt  }
tec
execute0_lowered:
.L_overlay_start_1:
0x0: {  	(tag) =	ssettag $0x1  }
0x1: {  	s0 =	srdreg.scid;
	s7 =	rddreg [dreg:$0x0]  }
0x2: {  	s2 =	rddreg [dreg:$0x1];
	s6 =	sand.u32 $0x1, s0;
	s0 =	stileid.u32  }
0x3: {  	s3 =	simm.s32 $0x0;
	s18 =	simm.s32 $0x200;
	s8 =	smul.u32 $0xA00, s0  }
0x4: {  	s19 =	simm.s32 $0xA000;
	s20 =	simm.s32 $0x1;
	s9 =	smul.u32 $0x2800, s0  }
0x5: {  	s21 =	simm.s32 $0x0;
	[smem:$0x7FF] =	sst s3;
	s10 =	smul.u32 $0x28000, s6  }
0x6: {  	s4 =	sadd.s32 $0x6000, s7;
	s1 =	sshll.u32 s6, $0x4;
	s12 =	smul.u32 $0xA000, s0  }
0x7: {  	s6 =	ssub.s32 $0x2, s6;
	s29 =	sshll.u32 s0, $0x6;
	s1 =	sor.u32 s0, s1  }
0x8: {  	s28 =	sshrl.u32 s6, $0x1;
	s5 =	smul.u32 $0xA00, s1;
	s1 =	rddreg [dreg:$0x2]  }
0x9: {  	_ =	strace $0x8000004D;
	s8 =	sadd.s32 s8, s7;
	s10 =	sadd.s32 s9, s10  }
0xa: {  	s12 =	sshrl.u32 s12, $0x2;
	s13 =	ssub.s32 s6, s28;
	s31 =	sadd.s32 s9, s2  }
0xb: {  	s6 =	sor.u32 $0x1C02, s29;
	s10 =	sshrl.u32 s10, $0x3;
	s30 =	sadd.s32 s12, s2  }
0xc: {  	s8 =	sadd.s32 $0x41200, s8;
	s12 =	simm.s32 $0x2;
	s11 =	sadd.s32 s5, s7  }
0xd: {  	s5 =	sadd.s32 $0xFE00, s7;
	s10 =	sadd.s32 s10, s7;
	s14 =	sadd.s32 $0x800, s30  }
0xe: {  	s15 =	sadd.s32 $0x1000, s30;
	s16 =	sadd.s32 $0x1800, s30;
	s17 =	sadd.s32 $0x2000, s30  }
0xf: {  	s7 =	sadd.s32 $0x2D200, s11;
	s9 =	sadd.s32 $0x10000, s10;
	s10 =	smax.u32 s13, $0x1  }
0x10: {  	s11 =	sshrl.u32 s31, $0x3;
	s13 =	sshrl.u32 s14, $0x3;
	s14 =	sshrl.u32 s15, $0x3  }
0x11: {  	s15 =	sshrl.u32 s16, $0x3;
	s16 =	sshrl.u32 s17, $0x3;
	s17 =	simm.s32 $0x5000  }
.LBB2_1:
0x12: {  	[spmem:s11], [sflag:s6] =	dma.local [hbm:s5], $0x100  }
0x13: {  	_ =	swait.ge [sflag:s12], $0x100  }
0x14: {  	[sflag:s12] =	ssyncset.done $0x0  }
0x15: {  	[sflag:s12] =	ssyncadd.s32 $0xFFFFFF00  }
0x16: {  	[spmem:s13], [sflag:s6] =	dma.local [hbm:s5], $0x100  }
0x17: {  	_ =	swait.ge [sflag:s12], $0x100  }
0x18: {  	[sflag:s12] =	ssyncset.done $0x0  }
0x19: {  	[sflag:s12] =	ssyncadd.s32 $0xFFFFFF00  }
0x1a: {  	[spmem:s14], [sflag:s6] =	dma.local [hbm:s5], $0x100  }
0x1b: {  	_ =	swait.ge [sflag:s12], $0x100  }
0x1c: {  	[sflag:s12] =	ssyncset.done $0x0  }
0x1d: {  	[sflag:s12] =	ssyncadd.s32 $0xFFFFFF00  }
0x1e: {  	[spmem:s15], [sflag:s6] =	dma.local [hbm:s5], $0x100  }
0x1f: {  	_ =	swait.ge [sflag:s12], $0x100  }
0x20: {  	[sflag:s12] =	ssyncset.done $0x0  }
0x21: {  	[sflag:s12] =	ssyncadd.s32 $0xFFFFFF00  }
0x22: {  	[spmem:s16], [sflag:s6] =	dma.local [hbm:s5], $0x100  }
0x23: {  	_ =	swait.ge [sflag:s12], $0x100  }
0x24: {  	[sflag:s12] =	ssyncset.done $0x0  }
0x25: {  	[sflag:s12] =	ssyncadd.s32 $0xFFFFFF00  }
0x26: {  	[tilespmem:s3], [sflag:$0x2] =	stream.linear.gather [hbm4b:s7+s3], $0x5000, $0x38;
	[tilespmem:$0xE800] =	vst v63  }
0x27: {  	_ =	swait.ge [sflag:s12], $0x5000  }
0x28: {  	[sflag:s12] =	ssyncset.done $0x0  }
0x29: {  	[sflag:s12] =	ssyncadd.s32 $0xFFFFB000  }
0x2a: {  	[tilespmem:s17], [sflag:$0x2] =	stream.linear.gather [hbm4b:s8+s3], $0x5000, $0x38;
	[tilespmem:$0xE800] =	vst v63  }
0x2b: {  	_ =	swait.ge [sflag:s12], $0x5000  }
0x2c: {  	[sflag:s12] =	ssyncset.done $0x0  }
0x2d: {  	[sflag:s12] =	ssyncadd.s32 $0xFFFFB000  }
0x2e: {  	s22 =	simm.s32 $0x0;
	[bflag:$0x0] =	sbarrier.arrive $0xFFFF  }
0x2f: {  	[tilespmem:s19], [sflag:$0x1] =	stream.indirect.gather [hbm4b:s4+s18], $0x10, s22, s18, $0xb8;
	[tilespmem:$0xE800] =	vst v63  }
0x30: {  	_ =	swait.ge [sflag:s20], $0x2000  }
0x31: {  	[sflag:s20] =	ssyncset.done $0x0  }
0x32: {  	s31 =	simm.s32 $0x5000;
	[sflag:s20] =	ssyncadd.s32 $0xFFFFE000  }
0x33: {  	[spmem:s2] =	stream.indirect.scatter.add.f32 [tilespmem:s19], [sflag:$0x2], $0x10, s31, s18, $0xb8;
	[tilespmem:$0xE800] =	vst v63  }
0x34: {  	_ =	swait.ge [sflag:s12], $0x2000  }
0x35: {  	s23 =	simm.s32 $0x1000;
	s22 =	simm.s32 $0x800;
	[sflag:s12] =	ssyncset.done $0x0  }
.LBB2_2:
0x36: {  	s24 =	sshra.s32 s22, $0x2  }
0x37: {  	[sflag:s12] =	ssyncadd.s32 $0xFFFFE000;
	s22 =	smov.u32 s23;
	s25 =	sadd.s32 $0x800, s23  }
0x38: {  	[tilespmem:s19], [sflag:$0x1] =	stream.indirect.gather [hbm4b:s4+s18], $0x10, s24, s18, $0xb8;
	[tilespmem:$0xE800] =	vst v63  }
0x39: {  	p0 =	sne.s32 s23, $0x13800;
	_ =	swait.ge [sflag:s20], $0x2000  }
.Ltmp0:
0x3a: {  	[sflag:s20] =	ssyncset.done $0x0;
	(pc) =	sbr.rel @p0 .LBB2_2-.Ltmp0, $4  }
0x3b: {  	s23 =	sadd.s32 $0x5000, s24;
	[sflag:s20] =	ssyncadd.s32 $0xFFFFE000  }
0x3c: {  	[spmem:s2] =	stream.indirect.scatter.add.f32 [tilespmem:s19], [sflag:$0x2], $0x10, s23, s18, $0xb8;
	[tilespmem:$0xE800] =	vst v63  }
0x3d: {  	_ =	swait.ge [sflag:s12], $0x2000  }
0x3e: {  	s23 =	smov.u32 s25;
	[sflag:s12] =	ssyncset.done $0x0  }
0x3f: {  	s22 =	sshra.s32 s22, $0x2;
	[sflag:s12] =	ssyncadd.s32 $0xFFFFE000  }
0x40: {  	[tilespmem:s19], [sflag:$0x1] =	stream.indirect.gather [hbm4b:s4+s18], $0x10, s22, s18, $0xb8;
	[tilespmem:$0xE800] =	vst v63  }
0x41: {  	_ =	swait.ge [sflag:s20], $0x2000  }
0x42: {  	[sflag:s20] =	ssyncset.done $0x0  }
0x43: {  	s22 =	sadd.s32 $0x5000, s22;
	[sflag:s20] =	ssyncadd.s32 $0xFFFFE000  }
0x44: {  	[spmem:s2] =	stream.indirect.scatter.add.f32 [tilespmem:s19], [sflag:$0x2], $0x10, s22, s18, $0xb8;
	[tilespmem:$0xE800] =	vst v63  }
0x45: {  	_ =	swait.ge [sflag:s12], $0x2000  }
0x46: {  	s21 =	sadd.s32 $0x1, s21;
	[sflag:s12] =	ssyncset.done $0x0  }
0x47: {  	p0 =	sne.s32 s21, s10;
	[sflag:s12] =	ssyncadd.s32 $0xFFFFE000  }
.Ltmp1:
0x48: {  	[bflag:$0x0] =	sbarrier.arrive $0xFFFF;
	(pc) =	sbr.rel @p0 .LBB2_1-.Ltmp1, $4  }
0x49: {  	[hbm:s9], [sflag:s6] =	dma.local [spmem:s11], $0x500  }
0x4a: {  	_ =	swait.ge [sflag:s12], $0x500  }
0x4b: {  	[sflag:s12] =	ssyncset.done $0x0  }
0x4c: {  	[sflag:s12] =	ssyncadd.s32 $0xFFFFFB00  }
0x4d: {  	_ =	sfence.sel $0x180000  }
0x4e: {  	[bflag:$0x0] =	sbarrier.arrive $0xFFFF  }
0x4f: {  	p0 =	sne.s32 s0, $0x0;
	_ =	strace $0x9000004D  }
0x50: {  	s0 =	sadd.s32 @!p0 $0x100000, s1;
	[bflag:$0x2] =	sbarrier.arrive $0xFFFF  }
0x51: {  	[sflag:s0] =	ssyncadd.tile.s32 @!p0 $0x1;
	_ =	shalt  }
.Lfunc_end2:
_tile_overlayer_lowered:
.L_overlay_start_2:
0x52: {  	(tag) =	ssettag $0x2  }
0x53: {  	s0 =	rddreg [dreg:$0x0];
	s2 =	stileid.u32  }
0x54: {  	s1 =	rddreg [dreg:$0x1];
	p0 =	sne.s32 s2, $0x0  }
0x55: {  	s3 =	rddreg [dreg:$0x2];
	[bflag:$0x3] =	sbarrier.arrive $0xFFFF;
	s2 =	simm.s32 @!p0 $0x1C02  }
0x56: {  	[timem:s3], [sflag:s2] =	dma.local @!p0 [hbm:s0], s1  }
0x57: {  	s0 =	simm.s32 @!p0 $0x2  }
0x58: {  	_ =	swait.ge @!p0 [sflag:s0], s1  }
0x59: {  	s1 =	ssub.s32 @!p0 $0x0, s1;
	[sflag:s0] =	ssyncset.done @!p0 $0x0  }
0x5a: {  	[sflag:s0] =	ssyncadd.s32 @!p0 s1  }
0x5b: {  	[bflag:$0x3] =	sbarrier.arrive $0xFFFF  }
0x5c: {  	_ =	shalt  }

</sc_bundles>
